<compile_context>
chip_gen: v7x
topology: tpu7x:2x2x1
jax: 0.10.2.dev20260603
libtpu: 0.0.44.dev20260713+nightly
codegen_flags: <defaults>
</compile_context>

<pallas_src>
import functools

import jax
import jax.numpy as jnp
from jax import lax
from jax.experimental import pallas as pl
from jax.experimental.pallas import tpu as pltpu
from jax.experimental.pallas import tpu_sc as plsc



def _make_sc_gather(V, D, B):
    info = plsc.get_sparse_core_info()
    NC, NS = info.num_cores, info.num_subcores
    NW = NC * NS
    assert B % NW == 0
    b_per_w = B // NW
    CH = next(c for c in (128, 120, 112, 104, 96, 88, 80, 72, 64, 56, 48,
                          40, 32, 24, 16, 8) if b_per_w % c == 0)
    assert b_per_w % CH == 0
    n_ch = b_per_w // CH

    mesh = plsc.VectorSubcoreMesh(core_axis_name="c", subcore_axis_name="s")

    @functools.partial(
        pl.kernel,
        mesh=mesh,
        out_type=jax.ShapeDtypeStruct((B, D), jnp.float32),
        scratch_types=[
            pltpu.VMEM((b_per_w,), jnp.int32),
            pltpu.VMEM((CH, D), jnp.float32),
            pltpu.VMEM((CH, D), jnp.float32),
            pltpu.SemaphoreType.DMA,
            pltpu.SemaphoreType.DMA,
        ],
    )
    def gather(table_hbm, idx_hbm, out_hbm, idx_v, rows_v0, rows_v1, s0, s1):
        wid = lax.axis_index("s") * NC + lax.axis_index("c")
        base = wid * b_per_w
        pltpu.sync_copy(idx_hbm.at[pl.ds(base, b_per_w)], idx_v)

        bufs = (rows_v0, rows_v1)
        sems = (s0, s1)
        cur = pltpu.async_copy(
            table_hbm.at[idx_v.at[pl.ds(0, CH)]], bufs[0], sems[0])
        for j in range(n_ch):
            cur.wait()
            if j + 1 < n_ch:
                cur = pltpu.async_copy(
                    table_hbm.at[idx_v.at[pl.ds((j + 1) * CH, CH)]],
                    bufs[(j + 1) % 2], sems[(j + 1) % 2],
                )
            pltpu.sync_copy(bufs[j % 2], out_hbm.at[pl.ds(base + j * CH, CH)])

    return gather



def _make_mm_body(aliased):
    def _mm_body(*refs):
        if aliased:
            _, emb_ref, w_ref, b_ref, out_ref = refs
        else:
            emb_ref, w_ref, b_ref, out_ref = refs
        out_ref[...] = (
            jnp.dot(emb_ref[...], w_ref[...],
                    preferred_element_type=jnp.float32)
            + b_ref[...]
        )
    return _mm_body


def _project_chunk(out_prev, emb_c, W, b2, blk0, n_blk, BR, B, eblk0=0):
    D = emb_c.shape[1]
    H = W.shape[1]
    specs = [
        pl.BlockSpec((BR, D), lambda i: (eblk0 + i, 0)),
        pl.BlockSpec((D, H), lambda i: (0, 0)),
        pl.BlockSpec((1, H), lambda i: (0, 0)),
    ]
    if out_prev is None:
        return pl.pallas_call(
            _make_mm_body(False),
            grid=(n_blk,),
            in_specs=specs,
            out_specs=pl.BlockSpec((BR, H), lambda i: (blk0 + i, 0)),
            out_shape=jax.ShapeDtypeStruct((B, H), jnp.float32),
        )(emb_c, W, b2)
    return pl.pallas_call(
        _make_mm_body(True),
        grid=(n_blk,),
        in_specs=[pl.BlockSpec(memory_space=pl.ANY)] + specs,
        out_specs=pl.BlockSpec((BR, H), lambda i: (blk0 + i, 0)),
        out_shape=jax.ShapeDtypeStruct((B, H), jnp.float32),
        input_output_aliases={0: 0},
    )(out_prev, emb_c, W, b2)



def kernel(indices, table, W, b):
    Bt, L = indices.shape
    V, D = table.shape
    H = W.shape[1]
    B = Bt * L

    idx_t = jnp.swapaxes(indices, 0, 1).reshape(-1).astype(jnp.int32)

    sizes = (B // 4, B // 4, B // 4, B // 4)
    brs = (2560, 2560, 2560, 2560)

    embs = []
    off = 0
    for cb in sizes:
        embs.append(_make_sc_gather(V, D, cb)(
            table, lax.dynamic_slice_in_dim(idx_t, off, cb)))
        off += cb

    out = None
    b2 = b.reshape(1, H)
    off = 0
    for cb, br, emb_c in zip(sizes, brs, embs):
        assert cb % br == 0 and off % br == 0
        out = _project_chunk(out, emb_c, W, b2,
                             blk0=off // br, n_blk=cb // br, BR=br, B=B)
        off += cb

    return jnp.transpose(out.reshape(L, Bt, H), (1, 0, 2))

# --- scband reference (transcript-rebuilt; emitter-appended) ---
"""Pipeline reference for scband-token-embedding-4561255268496 (READ-ONLY COPY).

The authoritative reference and input builder live on the scoring server;
editing this copy changes nothing except your own understanding.
"""

import jax, jax.numpy as jnp
import numpy as np

VOCAB = 100000
EMBED = 128
HIDDEN = 1024
PAD_IDX = 0


def setup_inputs(seed: int = 0) -> dict:
    key = jax.random.key(seed)
    k1, k2, k3 = jax.random.split(key, 3)
    indices = jax.random.randint(k1, (1024, 50), 0, VOCAB, dtype=jnp.int64) if jax.config.jax_enable_x64 else jax.random.randint(k1, (1024, 50), 0, VOCAB, dtype=jnp.int32)
    # xavier-normal-ish init for the embedding table, pad row zeroed (padding_idx)
    std_e = float(np.sqrt(2.0 / (VOCAB + EMBED)))
    table = jax.random.normal(k2, (VOCAB, EMBED), dtype=jnp.float32) * std_e
    table = table.at[PAD_IDX].set(0.0)
    # linear projection embedding_size -> hidden (since embedding_size != hidden)
    std_w = float(1.0 / np.sqrt(EMBED))
    W = jax.random.uniform(k3, (EMBED, HIDDEN), dtype=jnp.float32, minval=-std_w, maxval=std_w)
    b = jnp.zeros((HIDDEN,), dtype=jnp.float32)
    return {"indices": indices, "table": table, "W": W, "b": b}


def reference(indices, table, W, b):
    # embedding lookup (gather) followed by linear in_ projection
    emb = jnp.take(table, indices, axis=0)        # [B, L, EMBED]
    out = jnp.dot(emb, W) + b                      # [B, L, HIDDEN]
    return out

if __name__ == "__main__":
    import jax
    _d = setup_inputs()
    print(jax.jit(kernel)(*tuple(_d.values())))

</pallas_src>

<mosaic_0001>
#map = affine_map<(d0, d1) -> (0, 0)>
#map1 = affine_map<(d0, d1) -> (0)>
module attributes {stable_mosaic.version = 14 : i64} {
  func.func @gather(%arg0: i32, %arg1: i32, %arg2: memref<100000x128xf32, #tpu.memory_space<hbm>>, %arg3: memref<12800xi32, #tpu.memory_space<hbm>>, %arg4: memref<12800x128xf32, #tpu.memory_space<hbm>>, %arg5: memref<400xi32, #tpu.memory_space<vmem>>, %arg6: memref<80x128xf32, #tpu.memory_space<vmem>>, %arg7: memref<80x128xf32, #tpu.memory_space<vmem>>, %arg8: memref<!tpu.dma_semaphore, #tpu.memory_space<semaphore_mem>>, %arg9: memref<!tpu.dma_semaphore, #tpu.memory_space<semaphore_mem>>) attributes {dimension_semantics = [#tpu.dimension_semantics<core_parallel>, #tpu.dimension_semantics<subcore_parallel>], iteration_bounds = array<i64: 2, 16>, scalar_prefetch = 0 : i64, scratch_operands = 5 : i64, tpu.core_type = #tpu.core_type<sc_vector_subcore>, window_params = [{transform_indices = #map}, {transform_indices = #map1}, {transform_indices = #map}]} {
    %mul3A = arith.constant 2 : i32
    %mul3A_0 = arith.muli %arg1, %mul3A : i32
    %add3A = arith.addi %mul3A_0, %arg0 : i32
    %mul3A_1 = arith.constant 400 : i32
    %mul3A_2 = arith.muli %add3A, %mul3A_1 : i32
    "tpu.region"() ({
      %run_scoped3A = tpu.sem_alloc : memref<!tpu.dma_semaphore, #tpu.memory_space<semaphore_mem>>
      %dma_start3A_61 = tpu.memref_slice %arg3[%mul3A_2] : memref<12800xi32, #tpu.memory_space<hbm>> -> memref<400xi32, #tpu.memory_space<hbm>>
      %dma_start3A_62 = tpu.memref_slice %arg3[%mul3A_2] : memref<12800xi32, #tpu.memory_space<hbm>> -> memref<400xi32, #tpu.memory_space<hbm>>
      tpu.enqueue_dma source(%dma_start3A_62 : memref<400xi32, #tpu.memory_space<hbm>>) target(%arg5 : memref<400xi32, #tpu.memory_space<vmem>>) target_semaphore(%run_scoped3A : memref<!tpu.dma_semaphore, #tpu.memory_space<semaphore_mem>>)
      %dma_wait3A_63 = tpu.memref_slice %arg3[%mul3A_2] : memref<12800xi32, #tpu.memory_space<hbm>> -> memref<400xi32, #tpu.memory_space<hbm>>
      %dma_wait3A_64 = tpu.memref_slice %arg3[%mul3A_2] : memref<12800xi32, #tpu.memory_space<hbm>> -> memref<400xi32, #tpu.memory_space<hbm>>
      tpu.wait_dma2 semaphore(%run_scoped3A : memref<!tpu.dma_semaphore, #tpu.memory_space<semaphore_mem>>) src(%dma_wait3A_64 : memref<400xi32, #tpu.memory_space<hbm>>) dst(%arg5 : memref<400xi32, #tpu.memory_space<vmem>>)
      tpu.yield
    }) : () -> ()
    %dma_start3A = arith.constant 0 : i32
    %dma_start3A_3 = tpu.memref_slice %arg5[%dma_start3A] : memref<400xi32, #tpu.memory_space<vmem>> -> memref<80xi32, #tpu.memory_space<vmem>>
    %dma_start3A_4 = arith.constant 0 : i32
    %dma_start3A_5 = arith.constant 0 : i32
    %dma_start3A_6 = tpu.memref_slice %arg2[%dma_start3A_4, %dma_start3A_5] : memref<100000x128xf32, #tpu.memory_space<hbm>> -> memref<100000x128xf32, #tpu.memory_space<hbm>>
    tpu.enqueue_indirect_dma source(%dma_start3A_6 : memref<100000x128xf32, #tpu.memory_space<hbm>>) target(%arg6 : memref<80x128xf32, #tpu.memory_space<vmem>>) offsets(%dma_start3A_3 : memref<80xi32, #tpu.memory_space<vmem>>) semaphore(%arg8 : memref<!tpu.dma_semaphore, #tpu.memory_space<semaphore_mem>>)
    %dma_wait3A = arith.constant 0 : i32
    %dma_wait3A_7 = tpu.memref_slice %arg5[%dma_wait3A] : memref<400xi32, #tpu.memory_space<vmem>> -> memref<80xi32, #tpu.memory_space<vmem>>
    %dma_wait3A_8 = arith.constant 0 : i32
    %dma_wait3A_9 = arith.constant 0 : i32
    %dma_wait3A_10 = tpu.memref_slice %arg2[%dma_wait3A_8, %dma_wait3A_9] : memref<100000x128xf32, #tpu.memory_space<hbm>> -> memref<100000x128xf32, #tpu.memory_space<hbm>>
    tpu.wait_indirect_dma semaphore(%arg8 : memref<!tpu.dma_semaphore, #tpu.memory_space<semaphore_mem>>) src(%dma_wait3A_10 : memref<100000x128xf32, #tpu.memory_space<hbm>>) dst(%arg6 : memref<80x128xf32, #tpu.memory_space<vmem>>)
    %dma_start3A_11 = arith.constant 80 : i32
    %dma_start3A_12 = tpu.memref_slice %arg5[%dma_start3A_11] : memref<400xi32, #tpu.memory_space<vmem>> -> memref<80xi32, #tpu.memory_space<vmem>>
    %dma_start3A_13 = arith.constant 0 : i32
    %dma_start3A_14 = arith.constant 0 : i32
    %dma_start3A_15 = tpu.memref_slice %arg2[%dma_start3A_13, %dma_start3A_14] : memref<100000x128xf32, #tpu.memory_space<hbm>> -> memref<100000x128xf32, #tpu.memory_space<hbm>>
    tpu.enqueue_indirect_dma source(%dma_start3A_15 : memref<100000x128xf32, #tpu.memory_space<hbm>>) target(%arg7 : memref<80x128xf32, #tpu.memory_space<vmem>>) offsets(%dma_start3A_12 : memref<80xi32, #tpu.memory_space<vmem>>) semaphore(%arg9 : memref<!tpu.dma_semaphore, #tpu.memory_space<semaphore_mem>>)
    %add3A_16 = arith.constant 0 : i32
    %add3A_17 = arith.addi %mul3A_2, %add3A_16 : i32
    "tpu.region"() ({
      %run_scoped3A = tpu.sem_alloc : memref<!tpu.dma_semaphore, #tpu.memory_space<semaphore_mem>>
      %dma_start3A_61 = arith.constant 0 : i32
      %dma_start3A_62 = tpu.memref_slice %arg4[%add3A_17, %dma_start3A_61] : memref<12800x128xf32, #tpu.memory_space<hbm>> -> memref<80x128xf32, #tpu.memory_space<hbm>>
      %dma_start3A_63 = arith.constant 0 : i32
      %dma_start3A_64 = tpu.memref_slice %arg4[%add3A_17, %dma_start3A_63] : memref<12800x128xf32, #tpu.memory_space<hbm>> -> memref<80x128xf32, #tpu.memory_space<hbm>>
      tpu.enqueue_dma source(%arg6 : memref<80x128xf32, #tpu.memory_space<vmem>>) target(%dma_start3A_64 : memref<80x128xf32, #tpu.memory_space<hbm>>) target_semaphore(%run_scoped3A : memref<!tpu.dma_semaphore, #tpu.memory_space<semaphore_mem>>)
      %dma_wait3A_65 = arith.constant 0 : i32
      %dma_wait3A_66 = tpu.memref_slice %arg4[%add3A_17, %dma_wait3A_65] : memref<12800x128xf32, #tpu.memory_space<hbm>> -> memref<80x128xf32, #tpu.memory_space<hbm>>
      %dma_wait3A_67 = arith.constant 0 : i32
      %dma_wait3A_68 = tpu.memref_slice %arg4[%add3A_17, %dma_wait3A_67] : memref<12800x128xf32, #tpu.memory_space<hbm>> -> memref<80x128xf32, #tpu.memory_space<hbm>>
      tpu.wait_dma2 semaphore(%run_scoped3A : memref<!tpu.dma_semaphore, #tpu.memory_space<semaphore_mem>>) src(%arg6 : memref<80x128xf32, #tpu.memory_space<vmem>>) dst(%dma_wait3A_68 : memref<80x128xf32, #tpu.memory_space<hbm>>)
      tpu.yield
    }) : () -> ()
    %dma_wait3A_18 = arith.constant 80 : i32
    %dma_wait3A_19 = tpu.memref_slice %arg5[%dma_wait3A_18] : memref<400xi32, #tpu.memory_space<vmem>> -> memref<80xi32, #tpu.memory_space<vmem>>
    %dma_wait3A_20 = arith.constant 0 : i32
    %dma_wait3A_21 = arith.constant 0 : i32
    %dma_wait3A_22 = tpu.memref_slice %arg2[%dma_wait3A_20, %dma_wait3A_21] : memref<100000x128xf32, #tpu.memory_space<hbm>> -> memref<100000x128xf32, #tpu.memory_space<hbm>>
    tpu.wait_indirect_dma semaphore(%arg9 : memref<!tpu.dma_semaphore, #tpu.memory_space<semaphore_mem>>) src(%dma_wait3A_22 : memref<100000x128xf32, #tpu.memory_space<hbm>>) dst(%arg7 : memref<80x128xf32, #tpu.memory_space<vmem>>)
    %dma_start3A_23 = arith.constant 160 : i32
    %dma_start3A_24 = tpu.memref_slice %arg5[%dma_start3A_23] : memref<400xi32, #tpu.memory_space<vmem>> -> memref<80xi32, #tpu.memory_space<vmem>>
    %dma_start3A_25 = arith.constant 0 : i32
    %dma_start3A_26 = arith.constant 0 : i32
    %dma_start3A_27 = tpu.memref_slice %arg2[%dma_start3A_25, %dma_start3A_26] : memref<100000x128xf32, #tpu.memory_space<hbm>> -> memref<100000x128xf32, #tpu.memory_space<hbm>>
    tpu.enqueue_indirect_dma source(%dma_start3A_27 : memref<100000x128xf32, #tpu.memory_space<hbm>>) target(%arg6 : memref<80x128xf32, #tpu.memory_space<vmem>>) offsets(%dma_start3A_24 : memref<80xi32, #tpu.memory_space<vmem>>) semaphore(%arg8 : memref<!tpu.dma_semaphore, #tpu.memory_space<semaphore_mem>>)
    %add3A_28 = arith.constant 80 : i32
    %add3A_29 = arith.addi %mul3A_2, %add3A_28 : i32
    "tpu.region"() ({
      %run_scoped3A = tpu.sem_alloc : memref<!tpu.dma_semaphore, #tpu.memory_space<semaphore_mem>>
      %dma_start3A_61 = arith.constant 0 : i32
      %dma_start3A_62 = tpu.memref_slice %arg4[%add3A_29, %dma_start3A_61] : memref<12800x128xf32, #tpu.memory_space<hbm>> -> memref<80x128xf32, #tpu.memory_space<hbm>>
      %dma_start3A_63 = arith.constant 0 : i32
      %dma_start3A_64 = tpu.memref_slice %arg4[%add3A_29, %dma_start3A_63] : memref<12800x128xf32, #tpu.memory_space<hbm>> -> memref<80x128xf32, #tpu.memory_space<hbm>>
      tpu.enqueue_dma source(%arg7 : memref<80x128xf32, #tpu.memory_space<vmem>>) target(%dma_start3A_64 : memref<80x128xf32, #tpu.memory_space<hbm>>) target_semaphore(%run_scoped3A : memref<!tpu.dma_semaphore, #tpu.memory_space<semaphore_mem>>)
      %dma_wait3A_65 = arith.constant 0 : i32
      %dma_wait3A_66 = tpu.memref_slice %arg4[%add3A_29, %dma_wait3A_65] : memref<12800x128xf32, #tpu.memory_space<hbm>> -> memref<80x128xf32, #tpu.memory_space<hbm>>
      %dma_wait3A_67 = arith.constant 0 : i32
      %dma_wait3A_68 = tpu.memref_slice %arg4[%add3A_29, %dma_wait3A_67] : memref<12800x128xf32, #tpu.memory_space<hbm>> -> memref<80x128xf32, #tpu.memory_space<hbm>>
      tpu.wait_dma2 semaphore(%run_scoped3A : memref<!tpu.dma_semaphore, #tpu.memory_space<semaphore_mem>>) src(%arg7 : memref<80x128xf32, #tpu.memory_space<vmem>>) dst(%dma_wait3A_68 : memref<80x128xf32, #tpu.memory_space<hbm>>)
      tpu.yield
    }) : () -> ()
    %dma_wait3A_30 = arith.constant 160 : i32
    %dma_wait3A_31 = tpu.memref_slice %arg5[%dma_wait3A_30] : memref<400xi32, #tpu.memory_space<vmem>> -> memref<80xi32, #tpu.memory_space<vmem>>
    %dma_wait3A_32 = arith.constant 0 : i32
    %dma_wait3A_33 = arith.constant 0 : i32
    %dma_wait3A_34 = tpu.memref_slice %arg2[%dma_wait3A_32, %dma_wait3A_33] : memref<100000x128xf32, #tpu.memory_space<hbm>> -> memref<100000x128xf32, #tpu.memory_space<hbm>>
    tpu.wait_indirect_dma semaphore(%arg8 : memref<!tpu.dma_semaphore, #tpu.memory_space<semaphore_mem>>) src(%dma_wait3A_34 : memref<100000x128xf32, #tpu.memory_space<hbm>>) dst(%arg6 : memref<80x128xf32, #tpu.memory_space<vmem>>)
    %dma_start3A_35 = arith.constant 240 : i32
    %dma_start3A_36 = tpu.memref_slice %arg5[%dma_start3A_35] : memref<400xi32, #tpu.memory_space<vmem>> -> memref<80xi32, #tpu.memory_space<vmem>>
    %dma_start3A_37 = arith.constant 0 : i32
    %dma_start3A_38 = arith.constant 0 : i32
    %dma_start3A_39 = tpu.memref_slice %arg2[%dma_start3A_37, %dma_start3A_38] : memref<100000x128xf32, #tpu.memory_space<hbm>> -> memref<100000x128xf32, #tpu.memory_space<hbm>>
    tpu.enqueue_indirect_dma source(%dma_start3A_39 : memref<100000x128xf32, #tpu.memory_space<hbm>>) target(%arg7 : memref<80x128xf32, #tpu.memory_space<vmem>>) offsets(%dma_start3A_36 : memref<80xi32, #tpu.memory_space<vmem>>) semaphore(%arg9 : memref<!tpu.dma_semaphore, #tpu.memory_space<semaphore_mem>>)
    %add3A_40 = arith.constant 160 : i32
    %add3A_41 = arith.addi %mul3A_2, %add3A_40 : i32
    "tpu.region"() ({
      %run_scoped3A = tpu.sem_alloc : memref<!tpu.dma_semaphore, #tpu.memory_space<semaphore_mem>>
      %dma_start3A_61 = arith.constant 0 : i32
      %dma_start3A_62 = tpu.memref_slice %arg4[%add3A_41, %dma_start3A_61] : memref<12800x128xf32, #tpu.memory_space<hbm>> -> memref<80x128xf32, #tpu.memory_space<hbm>>
      %dma_start3A_63 = arith.constant 0 : i32
      %dma_start3A_64 = tpu.memref_slice %arg4[%add3A_41, %dma_start3A_63] : memref<12800x128xf32, #tpu.memory_space<hbm>> -> memref<80x128xf32, #tpu.memory_space<hbm>>
      tpu.enqueue_dma source(%arg6 : memref<80x128xf32, #tpu.memory_space<vmem>>) target(%dma_start3A_64 : memref<80x128xf32, #tpu.memory_space<hbm>>) target_semaphore(%run_scoped3A : memref<!tpu.dma_semaphore, #tpu.memory_space<semaphore_mem>>)
      %dma_wait3A_65 = arith.constant 0 : i32
      %dma_wait3A_66 = tpu.memref_slice %arg4[%add3A_41, %dma_wait3A_65] : memref<12800x128xf32, #tpu.memory_space<hbm>> -> memref<80x128xf32, #tpu.memory_space<hbm>>
      %dma_wait3A_67 = arith.constant 0 : i32
      %dma_wait3A_68 = tpu.memref_slice %arg4[%add3A_41, %dma_wait3A_67] : memref<12800x128xf32, #tpu.memory_space<hbm>> -> memref<80x128xf32, #tpu.memory_space<hbm>>
      tpu.wait_dma2 semaphore(%run_scoped3A : memref<!tpu.dma_semaphore, #tpu.memory_space<semaphore_mem>>) src(%arg6 : memref<80x128xf32, #tpu.memory_space<vmem>>) dst(%dma_wait3A_68 : memref<80x128xf32, #tpu.memory_space<hbm>>)
      tpu.yield
    }) : () -> ()
    %dma_wait3A_42 = arith.constant 240 : i32
    %dma_wait3A_43 = tpu.memref_slice %arg5[%dma_wait3A_42] : memref<400xi32, #tpu.memory_space<vmem>> -> memref<80xi32, #tpu.memory_space<vmem>>
    %dma_wait3A_44 = arith.constant 0 : i32
    %dma_wait3A_45 = arith.constant 0 : i32
    %dma_wait3A_46 = tpu.memref_slice %arg2[%dma_wait3A_44, %dma_wait3A_45] : memref<100000x128xf32, #tpu.memory_space<hbm>> -> memref<100000x128xf32, #tpu.memory_space<hbm>>
    tpu.wait_indirect_dma semaphore(%arg9 : memref<!tpu.dma_semaphore, #tpu.memory_space<semaphore_mem>>) src(%dma_wait3A_46 : memref<100000x128xf32, #tpu.memory_space<hbm>>) dst(%arg7 : memref<80x128xf32, #tpu.memory_space<vmem>>)
    %dma_start3A_47 = arith.constant 320 : i32
    %dma_start3A_48 = tpu.memref_slice %arg5[%dma_start3A_47] : memref<400xi32, #tpu.memory_space<vmem>> -> memref<80xi32, #tpu.memory_space<vmem>>
    %dma_start3A_49 = arith.constant 0 : i32
    %dma_start3A_50 = arith.constant 0 : i32
    %dma_start3A_51 = tpu.memref_slice %arg2[%dma_start3A_49, %dma_start3A_50] : memref<100000x128xf32, #tpu.memory_space<hbm>> -> memref<100000x128xf32, #tpu.memory_space<hbm>>
    tpu.enqueue_indirect_dma source(%dma_start3A_51 : memref<100000x128xf32, #tpu.memory_space<hbm>>) target(%arg6 : memref<80x128xf32, #tpu.memory_space<vmem>>) offsets(%dma_start3A_48 : memref<80xi32, #tpu.memory_space<vmem>>) semaphore(%arg8 : memref<!tpu.dma_semaphore, #tpu.memory_space<semaphore_mem>>)
    %add3A_52 = arith.constant 240 : i32
    %add3A_53 = arith.addi %mul3A_2, %add3A_52 : i32
    "tpu.region"() ({
      %run_scoped3A = tpu.sem_alloc : memref<!tpu.dma_semaphore, #tpu.memory_space<semaphore_mem>>
      %dma_start3A_61 = arith.constant 0 : i32
      %dma_start3A_62 = tpu.memref_slice %arg4[%add3A_53, %dma_start3A_61] : memref<12800x128xf32, #tpu.memory_space<hbm>> -> memref<80x128xf32, #tpu.memory_space<hbm>>
      %dma_start3A_63 = arith.constant 0 : i32
      %dma_start3A_64 = tpu.memref_slice %arg4[%add3A_53, %dma_start3A_63] : memref<12800x128xf32, #tpu.memory_space<hbm>> -> memref<80x128xf32, #tpu.memory_space<hbm>>
      tpu.enqueue_dma source(%arg7 : memref<80x128xf32, #tpu.memory_space<vmem>>) target(%dma_start3A_64 : memref<80x128xf32, #tpu.memory_space<hbm>>) target_semaphore(%run_scoped3A : memref<!tpu.dma_semaphore, #tpu.memory_space<semaphore_mem>>)
      %dma_wait3A_65 = arith.constant 0 : i32
      %dma_wait3A_66 = tpu.memref_slice %arg4[%add3A_53, %dma_wait3A_65] : memref<12800x128xf32, #tpu.memory_space<hbm>> -> memref<80x128xf32, #tpu.memory_space<hbm>>
      %dma_wait3A_67 = arith.constant 0 : i32
      %dma_wait3A_68 = tpu.memref_slice %arg4[%add3A_53, %dma_wait3A_67] : memref<12800x128xf32, #tpu.memory_space<hbm>> -> memref<80x128xf32, #tpu.memory_space<hbm>>
      tpu.wait_dma2 semaphore(%run_scoped3A : memref<!tpu.dma_semaphore, #tpu.memory_space<semaphore_mem>>) src(%arg7 : memref<80x128xf32, #tpu.memory_space<vmem>>) dst(%dma_wait3A_68 : memref<80x128xf32, #tpu.memory_space<hbm>>)
      tpu.yield
    }) : () -> ()
    %dma_wait3A_54 = arith.constant 320 : i32
    %dma_wait3A_55 = tpu.memref_slice %arg5[%dma_wait3A_54] : memref<400xi32, #tpu.memory_space<vmem>> -> memref<80xi32, #tpu.memory_space<vmem>>
    %dma_wait3A_56 = arith.constant 0 : i32
    %dma_wait3A_57 = arith.constant 0 : i32
    %dma_wait3A_58 = tpu.memref_slice %arg2[%dma_wait3A_56, %dma_wait3A_57] : memref<100000x128xf32, #tpu.memory_space<hbm>> -> memref<100000x128xf32, #tpu.memory_space<hbm>>
    tpu.wait_indirect_dma semaphore(%arg8 : memref<!tpu.dma_semaphore, #tpu.memory_space<semaphore_mem>>) src(%dma_wait3A_58 : memref<100000x128xf32, #tpu.memory_space<hbm>>) dst(%arg6 : memref<80x128xf32, #tpu.memory_space<vmem>>)
    %add3A_59 = arith.constant 320 : i32
    %add3A_60 = arith.addi %mul3A_2, %add3A_59 : i32
    "tpu.region"() ({
      %run_scoped3A = tpu.sem_alloc : memref<!tpu.dma_semaphore, #tpu.memory_space<semaphore_mem>>
      %dma_start3A_61 = arith.constant 0 : i32
      %dma_start3A_62 = tpu.memref_slice %arg4[%add3A_60, %dma_start3A_61] : memref<12800x128xf32, #tpu.memory_space<hbm>> -> memref<80x128xf32, #tpu.memory_space<hbm>>
      %dma_start3A_63 = arith.constant 0 : i32
      %dma_start3A_64 = tpu.memref_slice %arg4[%add3A_60, %dma_start3A_63] : memref<12800x128xf32, #tpu.memory_space<hbm>> -> memref<80x128xf32, #tpu.memory_space<hbm>>
      tpu.enqueue_dma source(%arg6 : memref<80x128xf32, #tpu.memory_space<vmem>>) target(%dma_start3A_64 : memref<80x128xf32, #tpu.memory_space<hbm>>) target_semaphore(%run_scoped3A : memref<!tpu.dma_semaphore, #tpu.memory_space<semaphore_mem>>)
      %dma_wait3A_65 = arith.constant 0 : i32
      %dma_wait3A_66 = tpu.memref_slice %arg4[%add3A_60, %dma_wait3A_65] : memref<12800x128xf32, #tpu.memory_space<hbm>> -> memref<80x128xf32, #tpu.memory_space<hbm>>
      %dma_wait3A_67 = arith.constant 0 : i32
      %dma_wait3A_68 = tpu.memref_slice %arg4[%add3A_60, %dma_wait3A_67] : memref<12800x128xf32, #tpu.memory_space<hbm>> -> memref<80x128xf32, #tpu.memory_space<hbm>>
      tpu.wait_dma2 semaphore(%run_scoped3A : memref<!tpu.dma_semaphore, #tpu.memory_space<semaphore_mem>>) src(%arg6 : memref<80x128xf32, #tpu.memory_space<vmem>>) dst(%dma_wait3A_68 : memref<80x128xf32, #tpu.memory_space<hbm>>)
      tpu.yield
    }) : () -> ()
    return
  }
}

#map = affine_map<(d0, d1) -> (0, 0)>
#map1 = affine_map<(d0, d1) -> (0)>
module attributes {stable_mosaic.version = 14 : i64} {
  func.func @gather(%arg0: i32, %arg1: i32, %arg2: memref<100000x128xf32, #tpu.memory_space<hbm>>, %arg3: memref<12800xi32, #tpu.memory_space<hbm>>, %arg4: memref<12800x128xf32, #tpu.memory_space<hbm>>, %arg5: memref<400xi32, #tpu.memory_space<vmem>>, %arg6: memref<80x128xf32, #tpu.memory_space<vmem>>, %arg7: memref<80x128xf32, #tpu.memory_space<vmem>>, %arg8: memref<!tpu.dma_semaphore, #tpu.memory_space<semaphore_mem>>, %arg9: memref<!tpu.dma_semaphore, #tpu.memory_space<semaphore_mem>>) attributes {dimension_semantics = [#tpu.dimension_semantics<core_parallel>, #tpu.dimension_semantics<subcore_parallel>], iteration_bounds = array<i64: 2, 16>, scalar_prefetch = 0 : i64, scratch_operands = 5 : i64, tpu.core_type = #tpu.core_type<sc_vector_subcore>, window_params = [{transform_indices = #map}, {transform_indices = #map1}, {transform_indices = #map}]} {
    %mul3A = arith.constant 2 : i32
    %mul3A_0 = arith.muli %arg1, %mul3A : i32
    %add3A = arith.addi %mul3A_0, %arg0 : i32
    %mul3A_1 = arith.constant 400 : i32
    %mul3A_2 = arith.muli %add3A, %mul3A_1 : i32
    "tpu.region"() ({
      %run_scoped3A = tpu.sem_alloc : memref<!tpu.dma_semaphore, #tpu.memory_space<semaphore_mem>>
      %dma_start3A_61 = tpu.memref_slice %arg3[%mul3A_2] : memref<12800xi32, #tpu.memory_space<hbm>> -> memref<400xi32, #tpu.memory_space<hbm>>
      %dma_start3A_62 = tpu.memref_slice %arg3[%mul3A_2] : memref<12800xi32, #tpu.memory_space<hbm>> -> memref<400xi32, #tpu.memory_space<hbm>>
      tpu.enqueue_dma source(%dma_start3A_62 : memref<400xi32, #tpu.memory_space<hbm>>) target(%arg5 : memref<400xi32, #tpu.memory_space<vmem>>) target_semaphore(%run_scoped3A : memref<!tpu.dma_semaphore, #tpu.memory_space<semaphore_mem>>)
      %dma_wait3A_63 = tpu.memref_slice %arg3[%mul3A_2] : memref<12800xi32, #tpu.memory_space<hbm>> -> memref<400xi32, #tpu.memory_space<hbm>>
      %dma_wait3A_64 = tpu.memref_slice %arg3[%mul3A_2] : memref<12800xi32, #tpu.memory_space<hbm>> -> memref<400xi32, #tpu.memory_space<hbm>>
      tpu.wait_dma2 semaphore(%run_scoped3A : memref<!tpu.dma_semaphore, #tpu.memory_space<semaphore_mem>>) src(%dma_wait3A_64 : memref<400xi32, #tpu.memory_space<hbm>>) dst(%arg5 : memref<400xi32, #tpu.memory_space<vmem>>)
      tpu.yield
    }) : () -> ()
    %dma_start3A = arith.constant 0 : i32
    %dma_start3A_3 = tpu.memref_slice %arg5[%dma_start3A] : memref<400xi32, #tpu.memory_space<vmem>> -> memref<80xi32, #tpu.memory_space<vmem>>
    %dma_start3A_4 = arith.constant 0 : i32
    %dma_start3A_5 = arith.constant 0 : i32
    %dma_start3A_6 = tpu.memref_slice %arg2[%dma_start3A_4, %dma_start3A_5] : memref<100000x128xf32, #tpu.memory_space<hbm>> -> memref<100000x128xf32, #tpu.memory_space<hbm>>
    tpu.enqueue_indirect_dma source(%dma_start3A_6 : memref<100000x128xf32, #tpu.memory_space<hbm>>) target(%arg6 : memref<80x128xf32, #tpu.memory_space<vmem>>) offsets(%dma_start3A_3 : memref<80xi32, #tpu.memory_space<vmem>>) semaphore(%arg8 : memref<!tpu.dma_semaphore, #tpu.memory_space<semaphore_mem>>)
    %dma_wait3A = arith.constant 0 : i32
    %dma_wait3A_7 = tpu.memref_slice %arg5[%dma_wait3A] : memref<400xi32, #tpu.memory_space<vmem>> -> memref<80xi32, #tpu.memory_space<vmem>>
    %dma_wait3A_8 = arith.constant 0 : i32
    %dma_wait3A_9 = arith.constant 0 : i32
    %dma_wait3A_10 = tpu.memref_slice %arg2[%dma_wait3A_8, %dma_wait3A_9] : memref<100000x128xf32, #tpu.memory_space<hbm>> -> memref<100000x128xf32, #tpu.memory_space<hbm>>
    tpu.wait_indirect_dma semaphore(%arg8 : memref<!tpu.dma_semaphore, #tpu.memory_space<semaphore_mem>>) src(%dma_wait3A_10 : memref<100000x128xf32, #tpu.memory_space<hbm>>) dst(%arg6 : memref<80x128xf32, #tpu.memory_space<vmem>>)
    %dma_start3A_11 = arith.constant 80 : i32
    %dma_start3A_12 = tpu.memref_slice %arg5[%dma_start3A_11] : memref<400xi32, #tpu.memory_space<vmem>> -> memref<80xi32, #tpu.memory_space<vmem>>
    %dma_start3A_13 = arith.constant 0 : i32
    %dma_start3A_14 = arith.constant 0 : i32
    %dma_start3A_15 = tpu.memref_slice %arg2[%dma_start3A_13, %dma_start3A_14] : memref<100000x128xf32, #tpu.memory_space<hbm>> -> memref<100000x128xf32, #tpu.memory_space<hbm>>
    tpu.enqueue_indirect_dma source(%dma_start3A_15 : memref<100000x128xf32, #tpu.memory_space<hbm>>) target(%arg7 : memref<80x128xf32, #tpu.memory_space<vmem>>) offsets(%dma_start3A_12 : memref<80xi32, #tpu.memory_space<vmem>>) semaphore(%arg9 : memref<!tpu.dma_semaphore, #tpu.memory_space<semaphore_mem>>)
    %add3A_16 = arith.constant 0 : i32
    %add3A_17 = arith.addi %mul3A_2, %add3A_16 : i32
    "tpu.region"() ({
      %run_scoped3A = tpu.sem_alloc : memref<!tpu.dma_semaphore, #tpu.memory_space<semaphore_mem>>
      %dma_start3A_61 = arith.constant 0 : i32
      %dma_start3A_62 = tpu.memref_slice %arg4[%add3A_17, %dma_start3A_61] : memref<12800x128xf32, #tpu.memory_space<hbm>> -> memref<80x128xf32, #tpu.memory_space<hbm>>
      %dma_start3A_63 = arith.constant 0 : i32
      %dma_start3A_64 = tpu.memref_slice %arg4[%add3A_17, %dma_start3A_63] : memref<12800x128xf32, #tpu.memory_space<hbm>> -> memref<80x128xf32, #tpu.memory_space<hbm>>
      tpu.enqueue_dma source(%arg6 : memref<80x128xf32, #tpu.memory_space<vmem>>) target(%dma_start3A_64 : memref<80x128xf32, #tpu.memory_space<hbm>>) target_semaphore(%run_scoped3A : memref<!tpu.dma_semaphore, #tpu.memory_space<semaphore_mem>>)
      %dma_wait3A_65 = arith.constant 0 : i32
      %dma_wait3A_66 = tpu.memref_slice %arg4[%add3A_17, %dma_wait3A_65] : memref<12800x128xf32, #tpu.memory_space<hbm>> -> memref<80x128xf32, #tpu.memory_space<hbm>>
      %dma_wait3A_67 = arith.constant 0 : i32
      %dma_wait3A_68 = tpu.memref_slice %arg4[%add3A_17, %dma_wait3A_67] : memref<12800x128xf32, #tpu.memory_space<hbm>> -> memref<80x128xf32, #tpu.memory_space<hbm>>
      tpu.wait_dma2 semaphore(%run_scoped3A : memref<!tpu.dma_semaphore, #tpu.memory_space<semaphore_mem>>) src(%arg6 : memref<80x128xf32, #tpu.memory_space<vmem>>) dst(%dma_wait3A_68 : memref<80x128xf32, #tpu.memory_space<hbm>>)
      tpu.yield
    }) : () -> ()
    %dma_wait3A_18 = arith.constant 80 : i32
    %dma_wait3A_19 = tpu.memref_slice %arg5[%dma_wait3A_18] : memref<400xi32, #tpu.memory_space<vmem>> -> memref<80xi32, #tpu.memory_space<vmem>>
    %dma_wait3A_20 = arith.constant 0 : i32
    %dma_wait3A_21 = arith.constant 0 : i32
    %dma_wait3A_22 = tpu.memref_slice %arg2[%dma_wait3A_20, %dma_wait3A_21] : memref<100000x128xf32, #tpu.memory_space<hbm>> -> memref<100000x128xf32, #tpu.memory_space<hbm>>
    tpu.wait_indirect_dma semaphore(%arg9 : memref<!tpu.dma_semaphore, #tpu.memory_space<semaphore_mem>>) src(%dma_wait3A_22 : memref<100000x128xf32, #tpu.memory_space<hbm>>) dst(%arg7 : memref<80x128xf32, #tpu.memory_space<vmem>>)
    %dma_start3A_23 = arith.constant 160 : i32
    %dma_start3A_24 = tpu.memref_slice %arg5[%dma_start3A_23] : memref<400xi32, #tpu.memory_space<vmem>> -> memref<80xi32, #tpu.memory_space<vmem>>
    %dma_start3A_25 = arith.constant 0 : i32
    %dma_start3A_26 = arith.constant 0 : i32
    %dma_start3A_27 = tpu.memref_slice %arg2[%dma_start3A_25, %dma_start3A_26] : memref<100000x128xf32, #tpu.memory_space<hbm>> -> memref<100000x128xf32, #tpu.memory_space<hbm>>
    tpu.enqueue_indirect_dma source(%dma_start3A_27 : memref<100000x128xf32, #tpu.memory_space<hbm>>) target(%arg6 : memref<80x128xf32, #tpu.memory_space<vmem>>) offsets(%dma_start3A_24 : memref<80xi32, #tpu.memory_space<vmem>>) semaphore(%arg8 : memref<!tpu.dma_semaphore, #tpu.memory_space<semaphore_mem>>)
    %add3A_28 = arith.constant 80 : i32
    %add3A_29 = arith.addi %mul3A_2, %add3A_28 : i32
    "tpu.region"() ({
      %run_scoped3A = tpu.sem_alloc : memref<!tpu.dma_semaphore, #tpu.memory_space<semaphore_mem>>
      %dma_start3A_61 = arith.constant 0 : i32
      %dma_start3A_62 = tpu.memref_slice %arg4[%add3A_29, %dma_start3A_61] : memref<12800x128xf32, #tpu.memory_space<hbm>> -> memref<80x128xf32, #tpu.memory_space<hbm>>
      %dma_start3A_63 = arith.constant 0 : i32
      %dma_start3A_64 = tpu.memref_slice %arg4[%add3A_29, %dma_start3A_63] : memref<12800x128xf32, #tpu.memory_space<hbm>> -> memref<80x128xf32, #tpu.memory_space<hbm>>
      tpu.enqueue_dma source(%arg7 : memref<80x128xf32, #tpu.memory_space<vmem>>) target(%dma_start3A_64 : memref<80x128xf32, #tpu.memory_space<hbm>>) target_semaphore(%run_scoped3A : memref<!tpu.dma_semaphore, #tpu.memory_space<semaphore_mem>>)
      %dma_wait3A_65 = arith.constant 0 : i32
      %dma_wait3A_66 = tpu.memref_slice %arg4[%add3A_29, %dma_wait3A_65] : memref<12800x128xf32, #tpu.memory_space<hbm>> -> memref<80x128xf32, #tpu.memory_space<hbm>>
      %dma_wait3A_67 = arith.constant 0 : i32
      %dma_wait3A_68 = tpu.memref_slice %arg4[%add3A_29, %dma_wait3A_67] : memref<12800x128xf32, #tpu.memory_space<hbm>> -> memref<80x128xf32, #tpu.memory_space<hbm>>
      tpu.wait_dma2 semaphore(%run_scoped3A : memref<!tpu.dma_semaphore, #tpu.memory_space<semaphore_mem>>) src(%arg7 : memref<80x128xf32, #tpu.memory_space<vmem>>) dst(%dma_wait3A_68 : memref<80x128xf32, #tpu.memory_space<hbm>>)
      tpu.yield
    }) : () -> ()
    %dma_wait3A_30 = arith.constant 160 : i32
    %dma_wait3A_31 = tpu.memref_slice %arg5[%dma_wait3A_30] : memref<400xi32, #tpu.memory_space<vmem>> -> memref<80xi32, #tpu.memory_space<vmem>>
    %dma_wait3A_32 = arith.constant 0 : i32
    %dma_wait3A_33 = arith.constant 0 : i32
    %dma_wait3A_34 = tpu.memref_slice %arg2[%dma_wait3A_32, %dma_wait3A_33] : memref<100000x128xf32, #tpu.memory_space<hbm>> -> memref<100000x128xf32, #tpu.memory_space<hbm>>
    tpu.wait_indirect_dma semaphore(%arg8 : memref<!tpu.dma_semaphore, #tpu.memory_space<semaphore_mem>>) src(%dma_wait3A_34 : memref<100000x128xf32, #tpu.memory_space<hbm>>) dst(%arg6 : memref<80x128xf32, #tpu.memory_space<vmem>>)
    %dma_start3A_35 = arith.constant 240 : i32
    %dma_start3A_36 = tpu.memref_slice %arg5[%dma_start3A_35] : memref<400xi32, #tpu.memory_space<vmem>> -> memref<80xi32, #tpu.memory_space<vmem>>
    %dma_start3A_37 = arith.constant 0 : i32
    %dma_start3A_38 = arith.constant 0 : i32
    %dma_start3A_39 = tpu.memref_slice %arg2[%dma_start3A_37, %dma_start3A_38] : memref<100000x128xf32, #tpu.memory_space<hbm>> -> memref<100000x128xf32, #tpu.memory_space<hbm>>
    tpu.enqueue_indirect_dma source(%dma_start3A_39 : memref<100000x128xf32, #tpu.memory_space<hbm>>) target(%arg7 : memref<80x128xf32, #tpu.memory_space<vmem>>) offsets(%dma_start3A_36 : memref<80xi32, #tpu.memory_space<vmem>>) semaphore(%arg9 : memref<!tpu.dma_semaphore, #tpu.memory_space<semaphore_mem>>)
    %add3A_40 = arith.constant 160 : i32
    %add3A_41 = arith.addi %mul3A_2, %add3A_40 : i32
    "tpu.region"() ({
      %run_scoped3A = tpu.sem_alloc : memref<!tpu.dma_semaphore, #tpu.memory_space<semaphore_mem>>
      %dma_start3A_61 = arith.constant 0 : i32
      %dma_start3A_62 = tpu.memref_slice %arg4[%add3A_41, %dma_start3A_61] : memref<12800x128xf32, #tpu.memory_space<hbm>> -> memref<80x128xf32, #tpu.memory_space<hbm>>
      %dma_start3A_63 = arith.constant 0 : i32
      %dma_start3A_64 = tpu.memref_slice %arg4[%add3A_41, %dma_start3A_63] : memref<12800x128xf32, #tpu.memory_space<hbm>> -> memref<80x128xf32, #tpu.memory_space<hbm>>
      tpu.enqueue_dma source(%arg6 : memref<80x128xf32, #tpu.memory_space<vmem>>) target(%dma_start3A_64 : memref<80x128xf32, #tpu.memory_space<hbm>>) target_semaphore(%run_scoped3A : memref<!tpu.dma_semaphore, #tpu.memory_space<semaphore_mem>>)
      %dma_wait3A_65 = arith.constant 0 : i32
      %dma_wait3A_66 = tpu.memref_slice %arg4[%add3A_41, %dma_wait3A_65] : memref<12800x128xf32, #tpu.memory_space<hbm>> -> memref<80x128xf32, #tpu.memory_space<hbm>>
      %dma_wait3A_67 = arith.constant 0 : i32
      %dma_wait3A_68 = tpu.memref_slice %arg4[%add3A_41, %dma_wait3A_67] : memref<12800x128xf32, #tpu.memory_space<hbm>> -> memref<80x128xf32, #tpu.memory_space<hbm>>
      tpu.wait_dma2 semaphore(%run_scoped3A : memref<!tpu.dma_semaphore, #tpu.memory_space<semaphore_mem>>) src(%arg6 : memref<80x128xf32, #tpu.memory_space<vmem>>) dst(%dma_wait3A_68 : memref<80x128xf32, #tpu.memory_space<hbm>>)
      tpu.yield
    }) : () -> ()
    %dma_wait3A_42 = arith.constant 240 : i32
    %dma_wait3A_43 = tpu.memref_slice %arg5[%dma_wait3A_42] : memref<400xi32, #tpu.memory_space<vmem>> -> memref<80xi32, #tpu.memory_space<vmem>>
    %dma_wait3A_44 = arith.constant 0 : i32
    %dma_wait3A_45 = arith.constant 0 : i32
    %dma_wait3A_46 = tpu.memref_slice %arg2[%dma_wait3A_44, %dma_wait3A_45] : memref<100000x128xf32, #tpu.memory_space<hbm>> -> memref<100000x128xf32, #tpu.memory_space<hbm>>
    tpu.wait_indirect_dma semaphore(%arg9 : memref<!tpu.dma_semaphore, #tpu.memory_space<semaphore_mem>>) src(%dma_wait3A_46 : memref<100000x128xf32, #tpu.memory_space<hbm>>) dst(%arg7 : memref<80x128xf32, #tpu.memory_space<vmem>>)
    %dma_start3A_47 = arith.constant 320 : i32
    %dma_start3A_48 = tpu.memref_slice %arg5[%dma_start3A_47] : memref<400xi32, #tpu.memory_space<vmem>> -> memref<80xi32, #tpu.memory_space<vmem>>
    %dma_start3A_49 = arith.constant 0 : i32
    %dma_start3A_50 = arith.constant 0 : i32
    %dma_start3A_51 = tpu.memref_slice %arg2[%dma_start3A_49, %dma_start3A_50] : memref<100000x128xf32, #tpu.memory_space<hbm>> -> memref<100000x128xf32, #tpu.memory_space<hbm>>
    tpu.enqueue_indirect_dma source(%dma_start3A_51 : memref<100000x128xf32, #tpu.memory_space<hbm>>) target(%arg6 : memref<80x128xf32, #tpu.memory_space<vmem>>) offsets(%dma_start3A_48 : memref<80xi32, #tpu.memory_space<vmem>>) semaphore(%arg8 : memref<!tpu.dma_semaphore, #tpu.memory_space<semaphore_mem>>)
    %add3A_52 = arith.constant 240 : i32
    %add3A_53 = arith.addi %mul3A_2, %add3A_52 : i32
    "tpu.region"() ({
      %run_scoped3A = tpu.sem_alloc : memref<!tpu.dma_semaphore, #tpu.memory_space<semaphore_mem>>
      %dma_start3A_61 = arith.constant 0 : i32
      %dma_start3A_62 = tpu.memref_slice %arg4[%add3A_53, %dma_start3A_61] : memref<12800x128xf32, #tpu.memory_space<hbm>> -> memref<80x128xf32, #tpu.memory_space<hbm>>
      %dma_start3A_63 = arith.constant 0 : i32
      %dma_start3A_64 = tpu.memref_slice %arg4[%add3A_53, %dma_start3A_63] : memref<12800x128xf32, #tpu.memory_space<hbm>> -> memref<80x128xf32, #tpu.memory_space<hbm>>
      tpu.enqueue_dma source(%arg7 : memref<80x128xf32, #tpu.memory_space<vmem>>) target(%dma_start3A_64 : memref<80x128xf32, #tpu.memory_space<hbm>>) target_semaphore(%run_scoped3A : memref<!tpu.dma_semaphore, #tpu.memory_space<semaphore_mem>>)
      %dma_wait3A_65 = arith.constant 0 : i32
      %dma_wait3A_66 = tpu.memref_slice %arg4[%add3A_53, %dma_wait3A_65] : memref<12800x128xf32, #tpu.memory_space<hbm>> -> memref<80x128xf32, #tpu.memory_space<hbm>>
      %dma_wait3A_67 = arith.constant 0 : i32
      %dma_wait3A_68 = tpu.memref_slice %arg4[%add3A_53, %dma_wait3A_67] : memref<12800x128xf32, #tpu.memory_space<hbm>> -> memref<80x128xf32, #tpu.memory_space<hbm>>
      tpu.wait_dma2 semaphore(%run_scoped3A : memref<!tpu.dma_semaphore, #tpu.memory_space<semaphore_mem>>) src(%arg7 : memref<80x128xf32, #tpu.memory_space<vmem>>) dst(%dma_wait3A_68 : memref<80x128xf32, #tpu.memory_space<hbm>>)
      tpu.yield
    }) : () -> ()
    %dma_wait3A_54 = arith.constant 320 : i32
    %dma_wait3A_55 = tpu.memref_slice %arg5[%dma_wait3A_54] : memref<400xi32, #tpu.memory_space<vmem>> -> memref<80xi32, #tpu.memory_space<vmem>>
    %dma_wait3A_56 = arith.constant 0 : i32
    %dma_wait3A_57 = arith.constant 0 : i32
    %dma_wait3A_58 = tpu.memref_slice %arg2[%dma_wait3A_56, %dma_wait3A_57] : memref<100000x128xf32, #tpu.memory_space<hbm>> -> memref<100000x128xf32, #tpu.memory_space<hbm>>
    tpu.wait_indirect_dma semaphore(%arg8 : memref<!tpu.dma_semaphore, #tpu.memory_space<semaphore_mem>>) src(%dma_wait3A_58 : memref<100000x128xf32, #tpu.memory_space<hbm>>) dst(%arg6 : memref<80x128xf32, #tpu.memory_space<vmem>>)
    %add3A_59 = arith.constant 320 : i32
    %add3A_60 = arith.addi %mul3A_2, %add3A_59 : i32
    "tpu.region"() ({
      %run_scoped3A = tpu.sem_alloc : memref<!tpu.dma_semaphore, #tpu.memory_space<semaphore_mem>>
      %dma_start3A_61 = arith.constant 0 : i32
      %dma_start3A_62 = tpu.memref_slice %arg4[%add3A_60, %dma_start3A_61] : memref<12800x128xf32, #tpu.memory_space<hbm>> -> memref<80x128xf32, #tpu.memory_space<hbm>>
      %dma_start3A_63 = arith.constant 0 : i32
      %dma_start3A_64 = tpu.memref_slice %arg4[%add3A_60, %dma_start3A_63] : memref<12800x128xf32, #tpu.memory_space<hbm>> -> memref<80x128xf32, #tpu.memory_space<hbm>>
      tpu.enqueue_dma source(%arg6 : memref<80x128xf32, #tpu.memory_space<vmem>>) target(%dma_start3A_64 : memref<80x128xf32, #tpu.memory_space<hbm>>) target_semaphore(%run_scoped3A : memref<!tpu.dma_semaphore, #tpu.memory_space<semaphore_mem>>)
      %dma_wait3A_65 = arith.constant 0 : i32
      %dma_wait3A_66 = tpu.memref_slice %arg4[%add3A_60, %dma_wait3A_65] : memref<12800x128xf32, #tpu.memory_space<hbm>> -> memref<80x128xf32, #tpu.memory_space<hbm>>
      %dma_wait3A_67 = arith.constant 0 : i32
      %dma_wait3A_68 = tpu.memref_slice %arg4[%add3A_60, %dma_wait3A_67] : memref<12800x128xf32, #tpu.memory_space<hbm>> -> memref<80x128xf32, #tpu.memory_space<hbm>>
      tpu.wait_dma2 semaphore(%run_scoped3A : memref<!tpu.dma_semaphore, #tpu.memory_space<semaphore_mem>>) src(%arg6 : memref<80x128xf32, #tpu.memory_space<vmem>>) dst(%dma_wait3A_68 : memref<80x128xf32, #tpu.memory_space<hbm>>)
      tpu.yield
    }) : () -> ()
    return
  }
}

#map = affine_map<(d0, d1) -> (0, 0)>
#map1 = affine_map<(d0, d1) -> (0)>
module attributes {stable_mosaic.version = 14 : i64} {
  func.func @gather(%arg0: i32, %arg1: i32, %arg2: memref<100000x128xf32, #tpu.memory_space<hbm>>, %arg3: memref<12800xi32, #tpu.memory_space<hbm>>, %arg4: memref<12800x128xf32, #tpu.memory_space<hbm>>, %arg5: memref<400xi32, #tpu.memory_space<vmem>>, %arg6: memref<80x128xf32, #tpu.memory_space<vmem>>, %arg7: memref<80x128xf32, #tpu.memory_space<vmem>>, %arg8: memref<!tpu.dma_semaphore, #tpu.memory_space<semaphore_mem>>, %arg9: memref<!tpu.dma_semaphore, #tpu.memory_space<semaphore_mem>>) attributes {dimension_semantics = [#tpu.dimension_semantics<core_parallel>, #tpu.dimension_semantics<subcore_parallel>], iteration_bounds = array<i64: 2, 16>, scalar_prefetch = 0 : i64, scratch_operands = 5 : i64, tpu.core_type = #tpu.core_type<sc_vector_subcore>, window_params = [{transform_indices = #map}, {transform_indices = #map1}, {transform_indices = #map}]} {
    %mul3A = arith.constant 2 : i32
    %mul3A_0 = arith.muli %arg1, %mul3A : i32
    %add3A = arith.addi %mul3A_0, %arg0 : i32
    %mul3A_1 = arith.constant 400 : i32
    %mul3A_2 = arith.muli %add3A, %mul3A_1 : i32
    "tpu.region"() ({
      %run_scoped3A = tpu.sem_alloc : memref<!tpu.dma_semaphore, #tpu.memory_space<semaphore_mem>>
      %dma_start3A_61 = tpu.memref_slice %arg3[%mul3A_2] : memref<12800xi32, #tpu.memory_space<hbm>> -> memref<400xi32, #tpu.memory_space<hbm>>
      %dma_start3A_62 = tpu.memref_slice %arg3[%mul3A_2] : memref<12800xi32, #tpu.memory_space<hbm>> -> memref<400xi32, #tpu.memory_space<hbm>>
      tpu.enqueue_dma source(%dma_start3A_62 : memref<400xi32, #tpu.memory_space<hbm>>) target(%arg5 : memref<400xi32, #tpu.memory_space<vmem>>) target_semaphore(%run_scoped3A : memref<!tpu.dma_semaphore, #tpu.memory_space<semaphore_mem>>)
      %dma_wait3A_63 = tpu.memref_slice %arg3[%mul3A_2] : memref<12800xi32, #tpu.memory_space<hbm>> -> memref<400xi32, #tpu.memory_space<hbm>>
      %dma_wait3A_64 = tpu.memref_slice %arg3[%mul3A_2] : memref<12800xi32, #tpu.memory_space<hbm>> -> memref<400xi32, #tpu.memory_space<hbm>>
      tpu.wait_dma2 semaphore(%run_scoped3A : memref<!tpu.dma_semaphore, #tpu.memory_space<semaphore_mem>>) src(%dma_wait3A_64 : memref<400xi32, #tpu.memory_space<hbm>>) dst(%arg5 : memref<400xi32, #tpu.memory_space<vmem>>)
      tpu.yield
    }) : () -> ()
    %dma_start3A = arith.constant 0 : i32
    %dma_start3A_3 = tpu.memref_slice %arg5[%dma_start3A] : memref<400xi32, #tpu.memory_space<vmem>> -> memref<80xi32, #tpu.memory_space<vmem>>
    %dma_start3A_4 = arith.constant 0 : i32
    %dma_start3A_5 = arith.constant 0 : i32
    %dma_start3A_6 = tpu.memref_slice %arg2[%dma_start3A_4, %dma_start3A_5] : memref<100000x128xf32, #tpu.memory_space<hbm>> -> memref<100000x128xf32, #tpu.memory_space<hbm>>
    tpu.enqueue_indirect_dma source(%dma_start3A_6 : memref<100000x128xf32, #tpu.memory_space<hbm>>) target(%arg6 : memref<80x128xf32, #tpu.memory_space<vmem>>) offsets(%dma_start3A_3 : memref<80xi32, #tpu.memory_space<vmem>>) semaphore(%arg8 : memref<!tpu.dma_semaphore, #tpu.memory_space<semaphore_mem>>)
    %dma_wait3A = arith.constant 0 : i32
    %dma_wait3A_7 = tpu.memref_slice %arg5[%dma_wait3A] : memref<400xi32, #tpu.memory_space<vmem>> -> memref<80xi32, #tpu.memory_space<vmem>>
    %dma_wait3A_8 = arith.constant 0 : i32
    %dma_wait3A_9 = arith.constant 0 : i32
    %dma_wait3A_10 = tpu.memref_slice %arg2[%dma_wait3A_8, %dma_wait3A_9] : memref<100000x128xf32, #tpu.memory_space<hbm>> -> memref<100000x128xf32, #tpu.memory_space<hbm>>
    tpu.wait_indirect_dma semaphore(%arg8 : memref<!tpu.dma_semaphore, #tpu.memory_space<semaphore_mem>>) src(%dma_wait3A_10 : memref<100000x128xf32, #tpu.memory_space<hbm>>) dst(%arg6 : memref<80x128xf32, #tpu.memory_space<vmem>>)
    %dma_start3A_11 = arith.constant 80 : i32
    %dma_start3A_12 = tpu.memref_slice %arg5[%dma_start3A_11] : memref<400xi32, #tpu.memory_space<vmem>> -> memref<80xi32, #tpu.memory_space<vmem>>
    %dma_start3A_13 = arith.constant 0 : i32
    %dma_start3A_14 = arith.constant 0 : i32
    %dma_start3A_15 = tpu.memref_slice %arg2[%dma_start3A_13, %dma_start3A_14] : memref<100000x128xf32, #tpu.memory_space<hbm>> -> memref<100000x128xf32, #tpu.memory_space<hbm>>
    tpu.enqueue_indirect_dma source(%dma_start3A_15 : memref<100000x128xf32, #tpu.memory_space<hbm>>) target(%arg7 : memref<80x128xf32, #tpu.memory_space<vmem>>) offsets(%dma_start3A_12 : memref<80xi32, #tpu.memory_space<vmem>>) semaphore(%arg9 : memref<!tpu.dma_semaphore, #tpu.memory_space<semaphore_mem>>)
    %add3A_16 = arith.constant 0 : i32
    %add3A_17 = arith.addi %mul3A_2, %add3A_16 : i32
    "tpu.region"() ({
      %run_scoped3A = tpu.sem_alloc : memref<!tpu.dma_semaphore, #tpu.memory_space<semaphore_mem>>
      %dma_start3A_61 = arith.constant 0 : i32
      %dma_start3A_62 = tpu.memref_slice %arg4[%add3A_17, %dma_start3A_61] : memref<12800x128xf32, #tpu.memory_space<hbm>> -> memref<80x128xf32, #tpu.memory_space<hbm>>
      %dma_start3A_63 = arith.constant 0 : i32
      %dma_start3A_64 = tpu.memref_slice %arg4[%add3A_17, %dma_start3A_63] : memref<12800x128xf32, #tpu.memory_space<hbm>> -> memref<80x128xf32, #tpu.memory_space<hbm>>
      tpu.enqueue_dma source(%arg6 : memref<80x128xf32, #tpu.memory_space<vmem>>) target(%dma_start3A_64 : memref<80x128xf32, #tpu.memory_space<hbm>>) target_semaphore(%run_scoped3A : memref<!tpu.dma_semaphore, #tpu.memory_space<semaphore_mem>>)
      %dma_wait3A_65 = arith.constant 0 : i32
      %dma_wait3A_66 = tpu.memref_slice %arg4[%add3A_17, %dma_wait3A_65] : memref<12800x128xf32, #tpu.memory_space<hbm>> -> memref<80x128xf32, #tpu.memory_space<hbm>>
      %dma_wait3A_67 = arith.constant 0 : i32
      %dma_wait3A_68 = tpu.memref_slice %arg4[%add3A_17, %dma_wait3A_67] : memref<12800x128xf32, #tpu.memory_space<hbm>> -> memref<80x128xf32, #tpu.memory_space<hbm>>
      tpu.wait_dma2 semaphore(%run_scoped3A : memref<!tpu.dma_semaphore, #tpu.memory_space<semaphore_mem>>) src(%arg6 : memref<80x128xf32, #tpu.memory_space<vmem>>) dst(%dma_wait3A_68 : memref<80x128xf32, #tpu.memory_space<hbm>>)
      tpu.yield
    }) : () -> ()
    %dma_wait3A_18 = arith.constant 80 : i32
    %dma_wait3A_19 = tpu.memref_slice %arg5[%dma_wait3A_18] : memref<400xi32, #tpu.memory_space<vmem>> -> memref<80xi32, #tpu.memory_space<vmem>>
    %dma_wait3A_20 = arith.constant 0 : i32
    %dma_wait3A_21 = arith.constant 0 : i32
    %dma_wait3A_22 = tpu.memref_slice %arg2[%dma_wait3A_20, %dma_wait3A_21] : memref<100000x128xf32, #tpu.memory_space<hbm>> -> memref<100000x128xf32, #tpu.memory_space<hbm>>
    tpu.wait_indirect_dma semaphore(%arg9 : memref<!tpu.dma_semaphore, #tpu.memory_space<semaphore_mem>>) src(%dma_wait3A_22 : memref<100000x128xf32, #tpu.memory_space<hbm>>) dst(%arg7 : memref<80x128xf32, #tpu.memory_space<vmem>>)
    %dma_start3A_23 = arith.constant 160 : i32
    %dma_start3A_24 = tpu.memref_slice %arg5[%dma_start3A_23] : memref<400xi32, #tpu.memory_space<vmem>> -> memref<80xi32, #tpu.memory_space<vmem>>
    %dma_start3A_25 = arith.constant 0 : i32
    %dma_start3A_26 = arith.constant 0 : i32
    %dma_start3A_27 = tpu.memref_slice %arg2[%dma_start3A_25, %dma_start3A_26] : memref<100000x128xf32, #tpu.memory_space<hbm>> -> memref<100000x128xf32, #tpu.memory_space<hbm>>
    tpu.enqueue_indirect_dma source(%dma_start3A_27 : memref<100000x128xf32, #tpu.memory_space<hbm>>) target(%arg6 : memref<80x128xf32, #tpu.memory_space<vmem>>) offsets(%dma_start3A_24 : memref<80xi32, #tpu.memory_space<vmem>>) semaphore(%arg8 : memref<!tpu.dma_semaphore, #tpu.memory_space<semaphore_mem>>)
    %add3A_28 = arith.constant 80 : i32
    %add3A_29 = arith.addi %mul3A_2, %add3A_28 : i32
    "tpu.region"() ({
      %run_scoped3A = tpu.sem_alloc : memref<!tpu.dma_semaphore, #tpu.memory_space<semaphore_mem>>
      %dma_start3A_61 = arith.constant 0 : i32
      %dma_start3A_62 = tpu.memref_slice %arg4[%add3A_29, %dma_start3A_61] : memref<12800x128xf32, #tpu.memory_space<hbm>> -> memref<80x128xf32, #tpu.memory_space<hbm>>
      %dma_start3A_63 = arith.constant 0 : i32
      %dma_start3A_64 = tpu.memref_slice %arg4[%add3A_29, %dma_start3A_63] : memref<12800x128xf32, #tpu.memory_space<hbm>> -> memref<80x128xf32, #tpu.memory_space<hbm>>
      tpu.enqueue_dma source(%arg7 : memref<80x128xf32, #tpu.memory_space<vmem>>) target(%dma_start3A_64 : memref<80x128xf32, #tpu.memory_space<hbm>>) target_semaphore(%run_scoped3A : memref<!tpu.dma_semaphore, #tpu.memory_space<semaphore_mem>>)
      %dma_wait3A_65 = arith.constant 0 : i32
      %dma_wait3A_66 = tpu.memref_slice %arg4[%add3A_29, %dma_wait3A_65] : memref<12800x128xf32, #tpu.memory_space<hbm>> -> memref<80x128xf32, #tpu.memory_space<hbm>>
      %dma_wait3A_67 = arith.constant 0 : i32
      %dma_wait3A_68 = tpu.memref_slice %arg4[%add3A_29, %dma_wait3A_67] : memref<12800x128xf32, #tpu.memory_space<hbm>> -> memref<80x128xf32, #tpu.memory_space<hbm>>
      tpu.wait_dma2 semaphore(%run_scoped3A : memref<!tpu.dma_semaphore, #tpu.memory_space<semaphore_mem>>) src(%arg7 : memref<80x128xf32, #tpu.memory_space<vmem>>) dst(%dma_wait3A_68 : memref<80x128xf32, #tpu.memory_space<hbm>>)
      tpu.yield
    }) : () -> ()
    %dma_wait3A_30 = arith.constant 160 : i32
    %dma_wait3A_31 = tpu.memref_slice %arg5[%dma_wait3A_30] : memref<400xi32, #tpu.memory_space<vmem>> -> memref<80xi32, #tpu.memory_space<vmem>>
    %dma_wait3A_32 = arith.constant 0 : i32
    %dma_wait3A_33 = arith.constant 0 : i32
    %dma_wait3A_34 = tpu.memref_slice %arg2[%dma_wait3A_32, %dma_wait3A_33] : memref<100000x128xf32, #tpu.memory_space<hbm>> -> memref<100000x128xf32, #tpu.memory_space<hbm>>
    tpu.wait_indirect_dma semaphore(%arg8 : memref<!tpu.dma_semaphore, #tpu.memory_space<semaphore_mem>>) src(%dma_wait3A_34 : memref<100000x128xf32, #tpu.memory_space<hbm>>) dst(%arg6 : memref<80x128xf32, #tpu.memory_space<vmem>>)
    %dma_start3A_35 = arith.constant 240 : i32
    %dma_start3A_36 = tpu.memref_slice %arg5[%dma_start3A_35] : memref<400xi32, #tpu.memory_space<vmem>> -> memref<80xi32, #tpu.memory_space<vmem>>
    %dma_start3A_37 = arith.constant 0 : i32
    %dma_start3A_38 = arith.constant 0 : i32
    %dma_start3A_39 = tpu.memref_slice %arg2[%dma_start3A_37, %dma_start3A_38] : memref<100000x128xf32, #tpu.memory_space<hbm>> -> memref<100000x128xf32, #tpu.memory_space<hbm>>
    tpu.enqueue_indirect_dma source(%dma_start3A_39 : memref<100000x128xf32, #tpu.memory_space<hbm>>) target(%arg7 : memref<80x128xf32, #tpu.memory_space<vmem>>) offsets(%dma_start3A_36 : memref<80xi32, #tpu.memory_space<vmem>>) semaphore(%arg9 : memref<!tpu.dma_semaphore, #tpu.memory_space<semaphore_mem>>)
    %add3A_40 = arith.constant 160 : i32
    %add3A_41 = arith.addi %mul3A_2, %add3A_40 : i32
    "tpu.region"() ({
      %run_scoped3A = tpu.sem_alloc : memref<!tpu.dma_semaphore, #tpu.memory_space<semaphore_mem>>
      %dma_start3A_61 = arith.constant 0 : i32
      %dma_start3A_62 = tpu.memref_slice %arg4[%add3A_41, %dma_start3A_61] : memref<12800x128xf32, #tpu.memory_space<hbm>> -> memref<80x128xf32, #tpu.memory_space<hbm>>
      %dma_start3A_63 = arith.constant 0 : i32
      %dma_start3A_64 = tpu.memref_slice %arg4[%add3A_41, %dma_start3A_63] : memref<12800x128xf32, #tpu.memory_space<hbm>> -> memref<80x128xf32, #tpu.memory_space<hbm>>
      tpu.enqueue_dma source(%arg6 : memref<80x128xf32, #tpu.memory_space<vmem>>) target(%dma_start3A_64 : memref<80x128xf32, #tpu.memory_space<hbm>>) target_semaphore(%run_scoped3A : memref<!tpu.dma_semaphore, #tpu.memory_space<semaphore_mem>>)
      %dma_wait3A_65 = arith.constant 0 : i32
      %dma_wait3A_66 = tpu.memref_slice %arg4[%add3A_41, %dma_wait3A_65] : memref<12800x128xf32, #tpu.memory_space<hbm>> -> memref<80x128xf32, #tpu.memory_space<hbm>>
      %dma_wait3A_67 = arith.constant 0 : i32
      %dma_wait3A_68 = tpu.memref_slice %arg4[%add3A_41, %dma_wait3A_67] : memref<12800x128xf32, #tpu.memory_space<hbm>> -> memref<80x128xf32, #tpu.memory_space<hbm>>
      tpu.wait_dma2 semaphore(%run_scoped3A : memref<!tpu.dma_semaphore, #tpu.memory_space<semaphore_mem>>) src(%arg6 : memref<80x128xf32, #tpu.memory_space<vmem>>) dst(%dma_wait3A_68 : memref<80x128xf32, #tpu.memory_space<hbm>>)
      tpu.yield
    }) : () -> ()
    %dma_wait3A_42 = arith.constant 240 : i32
    %dma_wait3A_43 = tpu.memref_slice %arg5[%dma_wait3A_42] : memref<400xi32, #tpu.memory_space<vmem>> -> memref<80xi32, #tpu.memory_space<vmem>>
    %dma_wait3A_44 = arith.constant 0 : i32
    %dma_wait3A_45 = arith.constant 0 : i32
    %dma_wait3A_46 = tpu.memref_slice %arg2[%dma_wait3A_44, %dma_wait3A_45] : memref<100000x128xf32, #tpu.memory_space<hbm>> -> memref<100000x128xf32, #tpu.memory_space<hbm>>
    tpu.wait_indirect_dma semaphore(%arg9 : memref<!tpu.dma_semaphore, #tpu.memory_space<semaphore_mem>>) src(%dma_wait3A_46 : memref<100000x128xf32, #tpu.memory_space<hbm>>) dst(%arg7 : memref<80x128xf32, #tpu.memory_space<vmem>>)
    %dma_start3A_47 = arith.constant 320 : i32
    %dma_start3A_48 = tpu.memref_slice %arg5[%dma_start3A_47] : memref<400xi32, #tpu.memory_space<vmem>> -> memref<80xi32, #tpu.memory_space<vmem>>
    %dma_start3A_49 = arith.constant 0 : i32
    %dma_start3A_50 = arith.constant 0 : i32
    %dma_start3A_51 = tpu.memref_slice %arg2[%dma_start3A_49, %dma_start3A_50] : memref<100000x128xf32, #tpu.memory_space<hbm>> -> memref<100000x128xf32, #tpu.memory_space<hbm>>
    tpu.enqueue_indirect_dma source(%dma_start3A_51 : memref<100000x128xf32, #tpu.memory_space<hbm>>) target(%arg6 : memref<80x128xf32, #tpu.memory_space<vmem>>) offsets(%dma_start3A_48 : memref<80xi32, #tpu.memory_space<vmem>>) semaphore(%arg8 : memref<!tpu.dma_semaphore, #tpu.memory_space<semaphore_mem>>)
    %add3A_52 = arith.constant 240 : i32
    %add3A_53 = arith.addi %mul3A_2, %add3A_52 : i32
    "tpu.region"() ({
      %run_scoped3A = tpu.sem_alloc : memref<!tpu.dma_semaphore, #tpu.memory_space<semaphore_mem>>
      %dma_start3A_61 = arith.constant 0 : i32
      %dma_start3A_62 = tpu.memref_slice %arg4[%add3A_53, %dma_start3A_61] : memref<12800x128xf32, #tpu.memory_space<hbm>> -> memref<80x128xf32, #tpu.memory_space<hbm>>
      %dma_start3A_63 = arith.constant 0 : i32
      %dma_start3A_64 = tpu.memref_slice %arg4[%add3A_53, %dma_start3A_63] : memref<12800x128xf32, #tpu.memory_space<hbm>> -> memref<80x128xf32, #tpu.memory_space<hbm>>
      tpu.enqueue_dma source(%arg7 : memref<80x128xf32, #tpu.memory_space<vmem>>) target(%dma_start3A_64 : memref<80x128xf32, #tpu.memory_space<hbm>>) target_semaphore(%run_scoped3A : memref<!tpu.dma_semaphore, #tpu.memory_space<semaphore_mem>>)
      %dma_wait3A_65 = arith.constant 0 : i32
      %dma_wait3A_66 = tpu.memref_slice %arg4[%add3A_53, %dma_wait3A_65] : memref<12800x128xf32, #tpu.memory_space<hbm>> -> memref<80x128xf32, #tpu.memory_space<hbm>>
      %dma_wait3A_67 = arith.constant 0 : i32
      %dma_wait3A_68 = tpu.memref_slice %arg4[%add3A_53, %dma_wait3A_67] : memref<12800x128xf32, #tpu.memory_space<hbm>> -> memref<80x128xf32, #tpu.memory_space<hbm>>
      tpu.wait_dma2 semaphore(%run_scoped3A : memref<!tpu.dma_semaphore, #tpu.memory_space<semaphore_mem>>) src(%arg7 : memref<80x128xf32, #tpu.memory_space<vmem>>) dst(%dma_wait3A_68 : memref<80x128xf32, #tpu.memory_space<hbm>>)
      tpu.yield
    }) : () -> ()
    %dma_wait3A_54 = arith.constant 320 : i32
    %dma_wait3A_55 = tpu.memref_slice %arg5[%dma_wait3A_54] : memref<400xi32, #tpu.memory_space<vmem>> -> memref<80xi32, #tpu.memory_space<vmem>>
    %dma_wait3A_56 = arith.constant 0 : i32
    %dma_wait3A_57 = arith.constant 0 : i32
    %dma_wait3A_58 = tpu.memref_slice %arg2[%dma_wait3A_56, %dma_wait3A_57] : memref<100000x128xf32, #tpu.memory_space<hbm>> -> memref<100000x128xf32, #tpu.memory_space<hbm>>
    tpu.wait_indirect_dma semaphore(%arg8 : memref<!tpu.dma_semaphore, #tpu.memory_space<semaphore_mem>>) src(%dma_wait3A_58 : memref<100000x128xf32, #tpu.memory_space<hbm>>) dst(%arg6 : memref<80x128xf32, #tpu.memory_space<vmem>>)
    %add3A_59 = arith.constant 320 : i32
    %add3A_60 = arith.addi %mul3A_2, %add3A_59 : i32
    "tpu.region"() ({
      %run_scoped3A = tpu.sem_alloc : memref<!tpu.dma_semaphore, #tpu.memory_space<semaphore_mem>>
      %dma_start3A_61 = arith.constant 0 : i32
      %dma_start3A_62 = tpu.memref_slice %arg4[%add3A_60, %dma_start3A_61] : memref<12800x128xf32, #tpu.memory_space<hbm>> -> memref<80x128xf32, #tpu.memory_space<hbm>>
      %dma_start3A_63 = arith.constant 0 : i32
      %dma_start3A_64 = tpu.memref_slice %arg4[%add3A_60, %dma_start3A_63] : memref<12800x128xf32, #tpu.memory_space<hbm>> -> memref<80x128xf32, #tpu.memory_space<hbm>>
      tpu.enqueue_dma source(%arg6 : memref<80x128xf32, #tpu.memory_space<vmem>>) target(%dma_start3A_64 : memref<80x128xf32, #tpu.memory_space<hbm>>) target_semaphore(%run_scoped3A : memref<!tpu.dma_semaphore, #tpu.memory_space<semaphore_mem>>)
      %dma_wait3A_65 = arith.constant 0 : i32
      %dma_wait3A_66 = tpu.memref_slice %arg4[%add3A_60, %dma_wait3A_65] : memref<12800x128xf32, #tpu.memory_space<hbm>> -> memref<80x128xf32, #tpu.memory_space<hbm>>
      %dma_wait3A_67 = arith.constant 0 : i32
      %dma_wait3A_68 = tpu.memref_slice %arg4[%add3A_60, %dma_wait3A_67] : memref<12800x128xf32, #tpu.memory_space<hbm>> -> memref<80x128xf32, #tpu.memory_space<hbm>>
      tpu.wait_dma2 semaphore(%run_scoped3A : memref<!tpu.dma_semaphore, #tpu.memory_space<semaphore_mem>>) src(%arg6 : memref<80x128xf32, #tpu.memory_space<vmem>>) dst(%dma_wait3A_68 : memref<80x128xf32, #tpu.memory_space<hbm>>)
      tpu.yield
    }) : () -> ()
    return
  }
}

#map = affine_map<(d0, d1) -> (0, 0)>
#map1 = affine_map<(d0, d1) -> (0)>
module attributes {stable_mosaic.version = 14 : i64} {
  func.func @gather(%arg0: i32, %arg1: i32, %arg2: memref<100000x128xf32, #tpu.memory_space<hbm>>, %arg3: memref<12800xi32, #tpu.memory_space<hbm>>, %arg4: memref<12800x128xf32, #tpu.memory_space<hbm>>, %arg5: memref<400xi32, #tpu.memory_space<vmem>>, %arg6: memref<80x128xf32, #tpu.memory_space<vmem>>, %arg7: memref<80x128xf32, #tpu.memory_space<vmem>>, %arg8: memref<!tpu.dma_semaphore, #tpu.memory_space<semaphore_mem>>, %arg9: memref<!tpu.dma_semaphore, #tpu.memory_space<semaphore_mem>>) attributes {dimension_semantics = [#tpu.dimension_semantics<core_parallel>, #tpu.dimension_semantics<subcore_parallel>], iteration_bounds = array<i64: 2, 16>, scalar_prefetch = 0 : i64, scratch_operands = 5 : i64, tpu.core_type = #tpu.core_type<sc_vector_subcore>, window_params = [{transform_indices = #map}, {transform_indices = #map1}, {transform_indices = #map}]} {
    %mul3A = arith.constant 2 : i32
    %mul3A_0 = arith.muli %arg1, %mul3A : i32
    %add3A = arith.addi %mul3A_0, %arg0 : i32
    %mul3A_1 = arith.constant 400 : i32
    %mul3A_2 = arith.muli %add3A, %mul3A_1 : i32
    "tpu.region"() ({
      %run_scoped3A = tpu.sem_alloc : memref<!tpu.dma_semaphore, #tpu.memory_space<semaphore_mem>>
      %dma_start3A_61 = tpu.memref_slice %arg3[%mul3A_2] : memref<12800xi32, #tpu.memory_space<hbm>> -> memref<400xi32, #tpu.memory_space<hbm>>
      %dma_start3A_62 = tpu.memref_slice %arg3[%mul3A_2] : memref<12800xi32, #tpu.memory_space<hbm>> -> memref<400xi32, #tpu.memory_space<hbm>>
      tpu.enqueue_dma source(%dma_start3A_62 : memref<400xi32, #tpu.memory_space<hbm>>) target(%arg5 : memref<400xi32, #tpu.memory_space<vmem>>) target_semaphore(%run_scoped3A : memref<!tpu.dma_semaphore, #tpu.memory_space<semaphore_mem>>)
      %dma_wait3A_63 = tpu.memref_slice %arg3[%mul3A_2] : memref<12800xi32, #tpu.memory_space<hbm>> -> memref<400xi32, #tpu.memory_space<hbm>>
      %dma_wait3A_64 = tpu.memref_slice %arg3[%mul3A_2] : memref<12800xi32, #tpu.memory_space<hbm>> -> memref<400xi32, #tpu.memory_space<hbm>>
      tpu.wait_dma2 semaphore(%run_scoped3A : memref<!tpu.dma_semaphore, #tpu.memory_space<semaphore_mem>>) src(%dma_wait3A_64 : memref<400xi32, #tpu.memory_space<hbm>>) dst(%arg5 : memref<400xi32, #tpu.memory_space<vmem>>)
      tpu.yield
    }) : () -> ()
    %dma_start3A = arith.constant 0 : i32
    %dma_start3A_3 = tpu.memref_slice %arg5[%dma_start3A] : memref<400xi32, #tpu.memory_space<vmem>> -> memref<80xi32, #tpu.memory_space<vmem>>
    %dma_start3A_4 = arith.constant 0 : i32
    %dma_start3A_5 = arith.constant 0 : i32
    %dma_start3A_6 = tpu.memref_slice %arg2[%dma_start3A_4, %dma_start3A_5] : memref<100000x128xf32, #tpu.memory_space<hbm>> -> memref<100000x128xf32, #tpu.memory_space<hbm>>
    tpu.enqueue_indirect_dma source(%dma_start3A_6 : memref<100000x128xf32, #tpu.memory_space<hbm>>) target(%arg6 : memref<80x128xf32, #tpu.memory_space<vmem>>) offsets(%dma_start3A_3 : memref<80xi32, #tpu.memory_space<vmem>>) semaphore(%arg8 : memref<!tpu.dma_semaphore, #tpu.memory_space<semaphore_mem>>)
    %dma_wait3A = arith.constant 0 : i32
    %dma_wait3A_7 = tpu.memref_slice %arg5[%dma_wait3A] : memref<400xi32, #tpu.memory_space<vmem>> -> memref<80xi32, #tpu.memory_space<vmem>>
    %dma_wait3A_8 = arith.constant 0 : i32
    %dma_wait3A_9 = arith.constant 0 : i32
    %dma_wait3A_10 = tpu.memref_slice %arg2[%dma_wait3A_8, %dma_wait3A_9] : memref<100000x128xf32, #tpu.memory_space<hbm>> -> memref<100000x128xf32, #tpu.memory_space<hbm>>
    tpu.wait_indirect_dma semaphore(%arg8 : memref<!tpu.dma_semaphore, #tpu.memory_space<semaphore_mem>>) src(%dma_wait3A_10 : memref<100000x128xf32, #tpu.memory_space<hbm>>) dst(%arg6 : memref<80x128xf32, #tpu.memory_space<vmem>>)
    %dma_start3A_11 = arith.constant 80 : i32
    %dma_start3A_12 = tpu.memref_slice %arg5[%dma_start3A_11] : memref<400xi32, #tpu.memory_space<vmem>> -> memref<80xi32, #tpu.memory_space<vmem>>
    %dma_start3A_13 = arith.constant 0 : i32
    %dma_start3A_14 = arith.constant 0 : i32
    %dma_start3A_15 = tpu.memref_slice %arg2[%dma_start3A_13, %dma_start3A_14] : memref<100000x128xf32, #tpu.memory_space<hbm>> -> memref<100000x128xf32, #tpu.memory_space<hbm>>
    tpu.enqueue_indirect_dma source(%dma_start3A_15 : memref<100000x128xf32, #tpu.memory_space<hbm>>) target(%arg7 : memref<80x128xf32, #tpu.memory_space<vmem>>) offsets(%dma_start3A_12 : memref<80xi32, #tpu.memory_space<vmem>>) semaphore(%arg9 : memref<!tpu.dma_semaphore, #tpu.memory_space<semaphore_mem>>)
    %add3A_16 = arith.constant 0 : i32
    %add3A_17 = arith.addi %mul3A_2, %add3A_16 : i32
    "tpu.region"() ({
      %run_scoped3A = tpu.sem_alloc : memref<!tpu.dma_semaphore, #tpu.memory_space<semaphore_mem>>
      %dma_start3A_61 = arith.constant 0 : i32
      %dma_start3A_62 = tpu.memref_slice %arg4[%add3A_17, %dma_start3A_61] : memref<12800x128xf32, #tpu.memory_space<hbm>> -> memref<80x128xf32, #tpu.memory_space<hbm>>
      %dma_start3A_63 = arith.constant 0 : i32
      %dma_start3A_64 = tpu.memref_slice %arg4[%add3A_17, %dma_start3A_63] : memref<12800x128xf32, #tpu.memory_space<hbm>> -> memref<80x128xf32, #tpu.memory_space<hbm>>
      tpu.enqueue_dma source(%arg6 : memref<80x128xf32, #tpu.memory_space<vmem>>) target(%dma_start3A_64 : memref<80x128xf32, #tpu.memory_space<hbm>>) target_semaphore(%run_scoped3A : memref<!tpu.dma_semaphore, #tpu.memory_space<semaphore_mem>>)
      %dma_wait3A_65 = arith.constant 0 : i32
      %dma_wait3A_66 = tpu.memref_slice %arg4[%add3A_17, %dma_wait3A_65] : memref<12800x128xf32, #tpu.memory_space<hbm>> -> memref<80x128xf32, #tpu.memory_space<hbm>>
      %dma_wait3A_67 = arith.constant 0 : i32
      %dma_wait3A_68 = tpu.memref_slice %arg4[%add3A_17, %dma_wait3A_67] : memref<12800x128xf32, #tpu.memory_space<hbm>> -> memref<80x128xf32, #tpu.memory_space<hbm>>
      tpu.wait_dma2 semaphore(%run_scoped3A : memref<!tpu.dma_semaphore, #tpu.memory_space<semaphore_mem>>) src(%arg6 : memref<80x128xf32, #tpu.memory_space<vmem>>) dst(%dma_wait3A_68 : memref<80x128xf32, #tpu.memory_space<hbm>>)
      tpu.yield
    }) : () -> ()
    %dma_wait3A_18 = arith.constant 80 : i32
    %dma_wait3A_19 = tpu.memref_slice %arg5[%dma_wait3A_18] : memref<400xi32, #tpu.memory_space<vmem>> -> memref<80xi32, #tpu.memory_space<vmem>>
    %dma_wait3A_20 = arith.constant 0 : i32
    %dma_wait3A_21 = arith.constant 0 : i32
    %dma_wait3A_22 = tpu.memref_slice %arg2[%dma_wait3A_20, %dma_wait3A_21] : memref<100000x128xf32, #tpu.memory_space<hbm>> -> memref<100000x128xf32, #tpu.memory_space<hbm>>
    tpu.wait_indirect_dma semaphore(%arg9 : memref<!tpu.dma_semaphore, #tpu.memory_space<semaphore_mem>>) src(%dma_wait3A_22 : memref<100000x128xf32, #tpu.memory_space<hbm>>) dst(%arg7 : memref<80x128xf32, #tpu.memory_space<vmem>>)
    %dma_start3A_23 = arith.constant 160 : i32
    %dma_start3A_24 = tpu.memref_slice %arg5[%dma_start3A_23] : memref<400xi32, #tpu.memory_space<vmem>> -> memref<80xi32, #tpu.memory_space<vmem>>
    %dma_start3A_25 = arith.constant 0 : i32
    %dma_start3A_26 = arith.constant 0 : i32
    %dma_start3A_27 = tpu.memref_slice %arg2[%dma_start3A_25, %dma_start3A_26] : memref<100000x128xf32, #tpu.memory_space<hbm>> -> memref<100000x128xf32, #tpu.memory_space<hbm>>
    tpu.enqueue_indirect_dma source(%dma_start3A_27 : memref<100000x128xf32, #tpu.memory_space<hbm>>) target(%arg6 : memref<80x128xf32, #tpu.memory_space<vmem>>) offsets(%dma_start3A_24 : memref<80xi32, #tpu.memory_space<vmem>>) semaphore(%arg8 : memref<!tpu.dma_semaphore, #tpu.memory_space<semaphore_mem>>)
    %add3A_28 = arith.constant 80 : i32
    %add3A_29 = arith.addi %mul3A_2, %add3A_28 : i32
    "tpu.region"() ({
      %run_scoped3A = tpu.sem_alloc : memref<!tpu.dma_semaphore, #tpu.memory_space<semaphore_mem>>
      %dma_start3A_61 = arith.constant 0 : i32
      %dma_start3A_62 = tpu.memref_slice %arg4[%add3A_29, %dma_start3A_61] : memref<12800x128xf32, #tpu.memory_space<hbm>> -> memref<80x128xf32, #tpu.memory_space<hbm>>
      %dma_start3A_63 = arith.constant 0 : i32
      %dma_start3A_64 = tpu.memref_slice %arg4[%add3A_29, %dma_start3A_63] : memref<12800x128xf32, #tpu.memory_space<hbm>> -> memref<80x128xf32, #tpu.memory_space<hbm>>
      tpu.enqueue_dma source(%arg7 : memref<80x128xf32, #tpu.memory_space<vmem>>) target(%dma_start3A_64 : memref<80x128xf32, #tpu.memory_space<hbm>>) target_semaphore(%run_scoped3A : memref<!tpu.dma_semaphore, #tpu.memory_space<semaphore_mem>>)
      %dma_wait3A_65 = arith.constant 0 : i32
      %dma_wait3A_66 = tpu.memref_slice %arg4[%add3A_29, %dma_wait3A_65] : memref<12800x128xf32, #tpu.memory_space<hbm>> -> memref<80x128xf32, #tpu.memory_space<hbm>>
      %dma_wait3A_67 = arith.constant 0 : i32
      %dma_wait3A_68 = tpu.memref_slice %arg4[%add3A_29, %dma_wait3A_67] : memref<12800x128xf32, #tpu.memory_space<hbm>> -> memref<80x128xf32, #tpu.memory_space<hbm>>
      tpu.wait_dma2 semaphore(%run_scoped3A : memref<!tpu.dma_semaphore, #tpu.memory_space<semaphore_mem>>) src(%arg7 : memref<80x128xf32, #tpu.memory_space<vmem>>) dst(%dma_wait3A_68 : memref<80x128xf32, #tpu.memory_space<hbm>>)
      tpu.yield
    }) : () -> ()
    %dma_wait3A_30 = arith.constant 160 : i32
    %dma_wait3A_31 = tpu.memref_slice %arg5[%dma_wait3A_30] : memref<400xi32, #tpu.memory_space<vmem>> -> memref<80xi32, #tpu.memory_space<vmem>>
    %dma_wait3A_32 = arith.constant 0 : i32
    %dma_wait3A_33 = arith.constant 0 : i32
    %dma_wait3A_34 = tpu.memref_slice %arg2[%dma_wait3A_32, %dma_wait3A_33] : memref<100000x128xf32, #tpu.memory_space<hbm>> -> memref<100000x128xf32, #tpu.memory_space<hbm>>
    tpu.wait_indirect_dma semaphore(%arg8 : memref<!tpu.dma_semaphore, #tpu.memory_space<semaphore_mem>>) src(%dma_wait3A_34 : memref<100000x128xf32, #tpu.memory_space<hbm>>) dst(%arg6 : memref<80x128xf32, #tpu.memory_space<vmem>>)
    %dma_start3A_35 = arith.constant 240 : i32
    %dma_start3A_36 = tpu.memref_slice %arg5[%dma_start3A_35] : memref<400xi32, #tpu.memory_space<vmem>> -> memref<80xi32, #tpu.memory_space<vmem>>
    %dma_start3A_37 = arith.constant 0 : i32
    %dma_start3A_38 = arith.constant 0 : i32
    %dma_start3A_39 = tpu.memref_slice %arg2[%dma_start3A_37, %dma_start3A_38] : memref<100000x128xf32, #tpu.memory_space<hbm>> -> memref<100000x128xf32, #tpu.memory_space<hbm>>
    tpu.enqueue_indirect_dma source(%dma_start3A_39 : memref<100000x128xf32, #tpu.memory_space<hbm>>) target(%arg7 : memref<80x128xf32, #tpu.memory_space<vmem>>) offsets(%dma_start3A_36 : memref<80xi32, #tpu.memory_space<vmem>>) semaphore(%arg9 : memref<!tpu.dma_semaphore, #tpu.memory_space<semaphore_mem>>)
    %add3A_40 = arith.constant 160 : i32
    %add3A_41 = arith.addi %mul3A_2, %add3A_40 : i32
    "tpu.region"() ({
      %run_scoped3A = tpu.sem_alloc : memref<!tpu.dma_semaphore, #tpu.memory_space<semaphore_mem>>
      %dma_start3A_61 = arith.constant 0 : i32
      %dma_start3A_62 = tpu.memref_slice %arg4[%add3A_41, %dma_start3A_61] : memref<12800x128xf32, #tpu.memory_space<hbm>> -> memref<80x128xf32, #tpu.memory_space<hbm>>
      %dma_start3A_63 = arith.constant 0 : i32
      %dma_start3A_64 = tpu.memref_slice %arg4[%add3A_41, %dma_start3A_63] : memref<12800x128xf32, #tpu.memory_space<hbm>> -> memref<80x128xf32, #tpu.memory_space<hbm>>
      tpu.enqueue_dma source(%arg6 : memref<80x128xf32, #tpu.memory_space<vmem>>) target(%dma_start3A_64 : memref<80x128xf32, #tpu.memory_space<hbm>>) target_semaphore(%run_scoped3A : memref<!tpu.dma_semaphore, #tpu.memory_space<semaphore_mem>>)
      %dma_wait3A_65 = arith.constant 0 : i32
      %dma_wait3A_66 = tpu.memref_slice %arg4[%add3A_41, %dma_wait3A_65] : memref<12800x128xf32, #tpu.memory_space<hbm>> -> memref<80x128xf32, #tpu.memory_space<hbm>>
      %dma_wait3A_67 = arith.constant 0 : i32
      %dma_wait3A_68 = tpu.memref_slice %arg4[%add3A_41, %dma_wait3A_67] : memref<12800x128xf32, #tpu.memory_space<hbm>> -> memref<80x128xf32, #tpu.memory_space<hbm>>
      tpu.wait_dma2 semaphore(%run_scoped3A : memref<!tpu.dma_semaphore, #tpu.memory_space<semaphore_mem>>) src(%arg6 : memref<80x128xf32, #tpu.memory_space<vmem>>) dst(%dma_wait3A_68 : memref<80x128xf32, #tpu.memory_space<hbm>>)
      tpu.yield
    }) : () -> ()
    %dma_wait3A_42 = arith.constant 240 : i32
    %dma_wait3A_43 = tpu.memref_slice %arg5[%dma_wait3A_42] : memref<400xi32, #tpu.memory_space<vmem>> -> memref<80xi32, #tpu.memory_space<vmem>>
    %dma_wait3A_44 = arith.constant 0 : i32
    %dma_wait3A_45 = arith.constant 0 : i32
    %dma_wait3A_46 = tpu.memref_slice %arg2[%dma_wait3A_44, %dma_wait3A_45] : memref<100000x128xf32, #tpu.memory_space<hbm>> -> memref<100000x128xf32, #tpu.memory_space<hbm>>
    tpu.wait_indirect_dma semaphore(%arg9 : memref<!tpu.dma_semaphore, #tpu.memory_space<semaphore_mem>>) src(%dma_wait3A_46 : memref<100000x128xf32, #tpu.memory_space<hbm>>) dst(%arg7 : memref<80x128xf32, #tpu.memory_space<vmem>>)
    %dma_start3A_47 = arith.constant 320 : i32
    %dma_start3A_48 = tpu.memref_slice %arg5[%dma_start3A_47] : memref<400xi32, #tpu.memory_space<vmem>> -> memref<80xi32, #tpu.memory_space<vmem>>
    %dma_start3A_49 = arith.constant 0 : i32
    %dma_start3A_50 = arith.constant 0 : i32
    %dma_start3A_51 = tpu.memref_slice %arg2[%dma_start3A_49, %dma_start3A_50] : memref<100000x128xf32, #tpu.memory_space<hbm>> -> memref<100000x128xf32, #tpu.memory_space<hbm>>
    tpu.enqueue_indirect_dma source(%dma_start3A_51 : memref<100000x128xf32, #tpu.memory_space<hbm>>) target(%arg6 : memref<80x128xf32, #tpu.memory_space<vmem>>) offsets(%dma_start3A_48 : memref<80xi32, #tpu.memory_space<vmem>>) semaphore(%arg8 : memref<!tpu.dma_semaphore, #tpu.memory_space<semaphore_mem>>)
    %add3A_52 = arith.constant 240 : i32
    %add3A_53 = arith.addi %mul3A_2, %add3A_52 : i32
    "tpu.region"() ({
      %run_scoped3A = tpu.sem_alloc : memref<!tpu.dma_semaphore, #tpu.memory_space<semaphore_mem>>
      %dma_start3A_61 = arith.constant 0 : i32
      %dma_start3A_62 = tpu.memref_slice %arg4[%add3A_53, %dma_start3A_61] : memref<12800x128xf32, #tpu.memory_space<hbm>> -> memref<80x128xf32, #tpu.memory_space<hbm>>
      %dma_start3A_63 = arith.constant 0 : i32
      %dma_start3A_64 = tpu.memref_slice %arg4[%add3A_53, %dma_start3A_63] : memref<12800x128xf32, #tpu.memory_space<hbm>> -> memref<80x128xf32, #tpu.memory_space<hbm>>
      tpu.enqueue_dma source(%arg7 : memref<80x128xf32, #tpu.memory_space<vmem>>) target(%dma_start3A_64 : memref<80x128xf32, #tpu.memory_space<hbm>>) target_semaphore(%run_scoped3A : memref<!tpu.dma_semaphore, #tpu.memory_space<semaphore_mem>>)
      %dma_wait3A_65 = arith.constant 0 : i32
      %dma_wait3A_66 = tpu.memref_slice %arg4[%add3A_53, %dma_wait3A_65] : memref<12800x128xf32, #tpu.memory_space<hbm>> -> memref<80x128xf32, #tpu.memory_space<hbm>>
      %dma_wait3A_67 = arith.constant 0 : i32
      %dma_wait3A_68 = tpu.memref_slice %arg4[%add3A_53, %dma_wait3A_67] : memref<12800x128xf32, #tpu.memory_space<hbm>> -> memref<80x128xf32, #tpu.memory_space<hbm>>
      tpu.wait_dma2 semaphore(%run_scoped3A : memref<!tpu.dma_semaphore, #tpu.memory_space<semaphore_mem>>) src(%arg7 : memref<80x128xf32, #tpu.memory_space<vmem>>) dst(%dma_wait3A_68 : memref<80x128xf32, #tpu.memory_space<hbm>>)
      tpu.yield
    }) : () -> ()
    %dma_wait3A_54 = arith.constant 320 : i32
    %dma_wait3A_55 = tpu.memref_slice %arg5[%dma_wait3A_54] : memref<400xi32, #tpu.memory_space<vmem>> -> memref<80xi32, #tpu.memory_space<vmem>>
    %dma_wait3A_56 = arith.constant 0 : i32
    %dma_wait3A_57 = arith.constant 0 : i32
    %dma_wait3A_58 = tpu.memref_slice %arg2[%dma_wait3A_56, %dma_wait3A_57] : memref<100000x128xf32, #tpu.memory_space<hbm>> -> memref<100000x128xf32, #tpu.memory_space<hbm>>
    tpu.wait_indirect_dma semaphore(%arg8 : memref<!tpu.dma_semaphore, #tpu.memory_space<semaphore_mem>>) src(%dma_wait3A_58 : memref<100000x128xf32, #tpu.memory_space<hbm>>) dst(%arg6 : memref<80x128xf32, #tpu.memory_space<vmem>>)
    %add3A_59 = arith.constant 320 : i32
    %add3A_60 = arith.addi %mul3A_2, %add3A_59 : i32
    "tpu.region"() ({
      %run_scoped3A = tpu.sem_alloc : memref<!tpu.dma_semaphore, #tpu.memory_space<semaphore_mem>>
      %dma_start3A_61 = arith.constant 0 : i32
      %dma_start3A_62 = tpu.memref_slice %arg4[%add3A_60, %dma_start3A_61] : memref<12800x128xf32, #tpu.memory_space<hbm>> -> memref<80x128xf32, #tpu.memory_space<hbm>>
      %dma_start3A_63 = arith.constant 0 : i32
      %dma_start3A_64 = tpu.memref_slice %arg4[%add3A_60, %dma_start3A_63] : memref<12800x128xf32, #tpu.memory_space<hbm>> -> memref<80x128xf32, #tpu.memory_space<hbm>>
      tpu.enqueue_dma source(%arg6 : memref<80x128xf32, #tpu.memory_space<vmem>>) target(%dma_start3A_64 : memref<80x128xf32, #tpu.memory_space<hbm>>) target_semaphore(%run_scoped3A : memref<!tpu.dma_semaphore, #tpu.memory_space<semaphore_mem>>)
      %dma_wait3A_65 = arith.constant 0 : i32
      %dma_wait3A_66 = tpu.memref_slice %arg4[%add3A_60, %dma_wait3A_65] : memref<12800x128xf32, #tpu.memory_space<hbm>> -> memref<80x128xf32, #tpu.memory_space<hbm>>
      %dma_wait3A_67 = arith.constant 0 : i32
      %dma_wait3A_68 = tpu.memref_slice %arg4[%add3A_60, %dma_wait3A_67] : memref<12800x128xf32, #tpu.memory_space<hbm>> -> memref<80x128xf32, #tpu.memory_space<hbm>>
      tpu.wait_dma2 semaphore(%run_scoped3A : memref<!tpu.dma_semaphore, #tpu.memory_space<semaphore_mem>>) src(%arg6 : memref<80x128xf32, #tpu.memory_space<vmem>>) dst(%dma_wait3A_68 : memref<80x128xf32, #tpu.memory_space<hbm>>)
      tpu.yield
    }) : () -> ()
    return
  }
}

module attributes {stable_mosaic.version = 14 : i64} {
  func.func @_mm_body(%arg0: i32, %arg1: memref<2560x128xf32, #tpu.memory_space<vmem>>, %arg2: memref<128x1024xf32, #tpu.memory_space<vmem>>, %arg3: memref<1x1024xf32, #tpu.memory_space<vmem>>, %arg4: memref<2560x1024xf32, #tpu.memory_space<vmem>>) attributes {dimension_semantics = [#tpu.dimension_semantics<arbitrary>], iteration_bounds = array<i64: 5>, scalar_prefetch = 0 : i64, scratch_operands = 0 : i64, tpu.core_type = #tpu.core_type<tc>, window_params = [{transform_indices = @transform_0, window_bounds = array<i64: 2560, 128>}, {pipeline_mode = #tpu.pipeline_mode<synchronous>, transform_indices = @transform_1, window_bounds = array<i64: 128, 1024>}, {pipeline_mode = #tpu.pipeline_mode<synchronous>, transform_indices = @transform_2, window_bounds = array<i64: 1, 1024>}, {transform_indices = @transform_3, window_bounds = array<i64: 2560, 1024>}]} {
    %get3A = arith.constant 0 : index
    %get3A_0 = arith.constant 0 : index
    %get3A_1 = vector.load %arg1[%get3A, %get3A_0] : memref<2560x128xf32, #tpu.memory_space<vmem>>, vector<2560x128xf32>
    %get3A_2 = arith.constant 0 : index
    %get3A_3 = arith.constant 0 : index
    %get3A_4 = vector.load %arg2[%get3A_2, %get3A_3] : memref<128x1024xf32, #tpu.memory_space<vmem>>, vector<128x1024xf32>
    %dot_general3A = arith.constant dense<0.000000e+00> : vector<2560x1024xf32>
    %dot_general3A_5 = tpu.matmul %get3A_1, %get3A_4, %dot_general3A {dimension_numbers = #tpu.dot_dimension_numbers<[1], [0], [0], [1], [0, 0, 1, 1], [], []>, transpose_lhs_hint = false} : vector<2560x128xf32>, vector<128x1024xf32>, vector<2560x1024xf32> -> vector<2560x1024xf32>
    %get3A_6 = arith.constant 0 : index
    %get3A_7 = arith.constant 0 : index
    %get3A_8 = vector.load %arg3[%get3A_6, %get3A_7] : memref<1x1024xf32, #tpu.memory_space<vmem>>, vector<1x1024xf32>
    %add3A = vector.broadcast %get3A_8 : vector<1x1024xf32> to vector<2560x1024xf32>
    %add3A_9 = arith.addf %dot_general3A_5, %add3A : vector<2560x1024xf32>
    %swap3A = arith.constant 0 : index
    %swap3A_10 = arith.constant 0 : index
    %swap3A_11 = vector.load %arg4[%swap3A, %swap3A_10] : memref<2560x1024xf32, #tpu.memory_space<vmem>>, vector<2560x1024xf32>
    tpu.vector_store %arg4[%swap3A, %swap3A_10], %add3A_9 {strides = array<i32>} : memref<2560x1024xf32, #tpu.memory_space<vmem>>, vector<2560x1024xf32>,
    return
  }
  func.func @transform_0(%arg0: i32) -> (i32, i32) {
    %add3A = arith.constant 0 : i32
    %add3A_0 = arith.addi %add3A, %arg0 : i32
    %c0_i32 = arith.constant 0 : i32
    %c0_i32_1 = arith.constant 0 : i32
    return %add3A_0, %c0_i32 : i32, i32
  }
  func.func @transform_1(%arg0: i32) -> (i32, i32) {
    %c0_i32 = arith.constant 0 : i32
    %c0_i32_0 = arith.constant 0 : i32
    %c0_i32_1 = arith.constant 0 : i32
    return %c0_i32, %c0_i32_0 : i32, i32
  }
  func.func @transform_2(%arg0: i32) -> (i32, i32) {
    %c0_i32 = arith.constant 0 : i32
    %c0_i32_0 = arith.constant 0 : i32
    %c0_i32_1 = arith.constant 0 : i32
    return %c0_i32, %c0_i32_0 : i32, i32
  }
  func.func @transform_3(%arg0: i32) -> (i32, i32) {
    %add3A = arith.constant 0 : i32
    %add3A_0 = arith.addi %add3A, %arg0 : i32
    %c0_i32 = arith.constant 0 : i32
    %c0_i32_1 = arith.constant 0 : i32
    return %add3A_0, %c0_i32 : i32, i32
  }
}

module attributes {stable_mosaic.version = 14 : i64} {
  func.func @_mm_body(%arg0: i32, %arg1: memref<51200x1024xf32, #tpu.memory_space<any>>, %arg2: memref<2560x128xf32, #tpu.memory_space<vmem>>, %arg3: memref<128x1024xf32, #tpu.memory_space<vmem>>, %arg4: memref<1x1024xf32, #tpu.memory_space<vmem>>, %arg5: memref<2560x1024xf32, #tpu.memory_space<vmem>>) attributes {dimension_semantics = [#tpu.dimension_semantics<arbitrary>], iteration_bounds = array<i64: 5>, scalar_prefetch = 0 : i64, scratch_operands = 0 : i64, tpu.core_type = #tpu.core_type<tc>, window_params = [{}, {transform_indices = @transform_1, window_bounds = array<i64: 2560, 128>}, {pipeline_mode = #tpu.pipeline_mode<synchronous>, transform_indices = @transform_2, window_bounds = array<i64: 128, 1024>}, {pipeline_mode = #tpu.pipeline_mode<synchronous>, transform_indices = @transform_3, window_bounds = array<i64: 1, 1024>}, {transform_indices = @transform_4, window_bounds = array<i64: 2560, 1024>}]} {
    %get3A = arith.constant 0 : index
    %get3A_0 = arith.constant 0 : index
    %get3A_1 = vector.load %arg2[%get3A, %get3A_0] : memref<2560x128xf32, #tpu.memory_space<vmem>>, vector<2560x128xf32>
    %get3A_2 = arith.constant 0 : index
    %get3A_3 = arith.constant 0 : index
    %get3A_4 = vector.load %arg3[%get3A_2, %get3A_3] : memref<128x1024xf32, #tpu.memory_space<vmem>>, vector<128x1024xf32>
    %dot_general3A = arith.constant dense<0.000000e+00> : vector<2560x1024xf32>
    %dot_general3A_5 = tpu.matmul %get3A_1, %get3A_4, %dot_general3A {dimension_numbers = #tpu.dot_dimension_numbers<[1], [0], [0], [1], [0, 0, 1, 1], [], []>, transpose_lhs_hint = false} : vector<2560x128xf32>, vector<128x1024xf32>, vector<2560x1024xf32> -> vector<2560x1024xf32>
    %get3A_6 = arith.constant 0 : index
    %get3A_7 = arith.constant 0 : index
    %get3A_8 = vector.load %arg4[%get3A_6, %get3A_7] : memref<1x1024xf32, #tpu.memory_space<vmem>>, vector<1x1024xf32>
    %add3A = vector.broadcast %get3A_8 : vector<1x1024xf32> to vector<2560x1024xf32>
    %add3A_9 = arith.addf %dot_general3A_5, %add3A : vector<2560x1024xf32>
    %swap3A = arith.constant 0 : index
    %swap3A_10 = arith.constant 0 : index
    %swap3A_11 = vector.load %arg5[%swap3A, %swap3A_10] : memref<2560x1024xf32, #tpu.memory_space<vmem>>, vector<2560x1024xf32>
    tpu.vector_store %arg5[%swap3A, %swap3A_10], %add3A_9 {strides = array<i32>} : memref<2560x1024xf32, #tpu.memory_space<vmem>>, vector<2560x1024xf32>,
    return
  }
  func.func @transform_1(%arg0: i32) -> (i32, i32) {
    %add3A = arith.constant 0 : i32
    %add3A_0 = arith.addi %add3A, %arg0 : i32
    %c0_i32 = arith.constant 0 : i32
    %c0_i32_1 = arith.constant 0 : i32
    return %add3A_0, %c0_i32 : i32, i32
  }
  func.func @transform_2(%arg0: i32) -> (i32, i32) {
    %c0_i32 = arith.constant 0 : i32
    %c0_i32_0 = arith.constant 0 : i32
    %c0_i32_1 = arith.constant 0 : i32
    return %c0_i32, %c0_i32_0 : i32, i32
  }
  func.func @transform_3(%arg0: i32) -> (i32, i32) {
    %c0_i32 = arith.constant 0 : i32
    %c0_i32_0 = arith.constant 0 : i32
    %c0_i32_1 = arith.constant 0 : i32
    return %c0_i32, %c0_i32_0 : i32, i32
  }
  func.func @transform_4(%arg0: i32) -> (i32, i32) {
    %add3A = arith.constant 5 : i32
    %add3A_0 = arith.addi %add3A, %arg0 : i32
    %c0_i32 = arith.constant 0 : i32
    %c0_i32_1 = arith.constant 0 : i32
    return %add3A_0, %c0_i32 : i32, i32
  }
}

module attributes {stable_mosaic.version = 14 : i64} {
  func.func @_mm_body(%arg0: i32, %arg1: memref<51200x1024xf32, #tpu.memory_space<any>>, %arg2: memref<2560x128xf32, #tpu.memory_space<vmem>>, %arg3: memref<128x1024xf32, #tpu.memory_space<vmem>>, %arg4: memref<1x1024xf32, #tpu.memory_space<vmem>>, %arg5: memref<2560x1024xf32, #tpu.memory_space<vmem>>) attributes {dimension_semantics = [#tpu.dimension_semantics<arbitrary>], iteration_bounds = array<i64: 5>, scalar_prefetch = 0 : i64, scratch_operands = 0 : i64, tpu.core_type = #tpu.core_type<tc>, window_params = [{}, {transform_indices = @transform_1, window_bounds = array<i64: 2560, 128>}, {pipeline_mode = #tpu.pipeline_mode<synchronous>, transform_indices = @transform_2, window_bounds = array<i64: 128, 1024>}, {pipeline_mode = #tpu.pipeline_mode<synchronous>, transform_indices = @transform_3, window_bounds = array<i64: 1, 1024>}, {transform_indices = @transform_4, window_bounds = array<i64: 2560, 1024>}]} {
    %get3A = arith.constant 0 : index
    %get3A_0 = arith.constant 0 : index
    %get3A_1 = vector.load %arg2[%get3A, %get3A_0] : memref<2560x128xf32, #tpu.memory_space<vmem>>, vector<2560x128xf32>
    %get3A_2 = arith.constant 0 : index
    %get3A_3 = arith.constant 0 : index
    %get3A_4 = vector.load %arg3[%get3A_2, %get3A_3] : memref<128x1024xf32, #tpu.memory_space<vmem>>, vector<128x1024xf32>
    %dot_general3A = arith.constant dense<0.000000e+00> : vector<2560x1024xf32>
    %dot_general3A_5 = tpu.matmul %get3A_1, %get3A_4, %dot_general3A {dimension_numbers = #tpu.dot_dimension_numbers<[1], [0], [0], [1], [0, 0, 1, 1], [], []>, transpose_lhs_hint = false} : vector<2560x128xf32>, vector<128x1024xf32>, vector<2560x1024xf32> -> vector<2560x1024xf32>
    %get3A_6 = arith.constant 0 : index
    %get3A_7 = arith.constant 0 : index
    %get3A_8 = vector.load %arg4[%get3A_6, %get3A_7] : memref<1x1024xf32, #tpu.memory_space<vmem>>, vector<1x1024xf32>
    %add3A = vector.broadcast %get3A_8 : vector<1x1024xf32> to vector<2560x1024xf32>
    %add3A_9 = arith.addf %dot_general3A_5, %add3A : vector<2560x1024xf32>
    %swap3A = arith.constant 0 : index
    %swap3A_10 = arith.constant 0 : index
    %swap3A_11 = vector.load %arg5[%swap3A, %swap3A_10] : memref<2560x1024xf32, #tpu.memory_space<vmem>>, vector<2560x1024xf32>
    tpu.vector_store %arg5[%swap3A, %swap3A_10], %add3A_9 {strides = array<i32>} : memref<2560x1024xf32, #tpu.memory_space<vmem>>, vector<2560x1024xf32>,
    return
  }
  func.func @transform_1(%arg0: i32) -> (i32, i32) {
    %add3A = arith.constant 0 : i32
    %add3A_0 = arith.addi %add3A, %arg0 : i32
    %c0_i32 = arith.constant 0 : i32
    %c0_i32_1 = arith.constant 0 : i32
    return %add3A_0, %c0_i32 : i32, i32
  }
  func.func @transform_2(%arg0: i32) -> (i32, i32) {
    %c0_i32 = arith.constant 0 : i32
    %c0_i32_0 = arith.constant 0 : i32
    %c0_i32_1 = arith.constant 0 : i32
    return %c0_i32, %c0_i32_0 : i32, i32
  }
  func.func @transform_3(%arg0: i32) -> (i32, i32) {
    %c0_i32 = arith.constant 0 : i32
    %c0_i32_0 = arith.constant 0 : i32
    %c0_i32_1 = arith.constant 0 : i32
    return %c0_i32, %c0_i32_0 : i32, i32
  }
  func.func @transform_4(%arg0: i32) -> (i32, i32) {
    %add3A = arith.constant 10 : i32
    %add3A_0 = arith.addi %add3A, %arg0 : i32
    %c0_i32 = arith.constant 0 : i32
    %c0_i32_1 = arith.constant 0 : i32
    return %add3A_0, %c0_i32 : i32, i32
  }
}

module attributes {stable_mosaic.version = 14 : i64} {
  func.func @_mm_body(%arg0: i32, %arg1: memref<51200x1024xf32, #tpu.memory_space<any>>, %arg2: memref<2560x128xf32, #tpu.memory_space<vmem>>, %arg3: memref<128x1024xf32, #tpu.memory_space<vmem>>, %arg4: memref<1x1024xf32, #tpu.memory_space<vmem>>, %arg5: memref<2560x1024xf32, #tpu.memory_space<vmem>>) attributes {dimension_semantics = [#tpu.dimension_semantics<arbitrary>], iteration_bounds = array<i64: 5>, scalar_prefetch = 0 : i64, scratch_operands = 0 : i64, tpu.core_type = #tpu.core_type<tc>, window_params = [{}, {transform_indices = @transform_1, window_bounds = array<i64: 2560, 128>}, {pipeline_mode = #tpu.pipeline_mode<synchronous>, transform_indices = @transform_2, window_bounds = array<i64: 128, 1024>}, {pipeline_mode = #tpu.pipeline_mode<synchronous>, transform_indices = @transform_3, window_bounds = array<i64: 1, 1024>}, {transform_indices = @transform_4, window_bounds = array<i64: 2560, 1024>}]} {
    %get3A = arith.constant 0 : index
    %get3A_0 = arith.constant 0 : index
    %get3A_1 = vector.load %arg2[%get3A, %get3A_0] : memref<2560x128xf32, #tpu.memory_space<vmem>>, vector<2560x128xf32>
    %get3A_2 = arith.constant 0 : index
    %get3A_3 = arith.constant 0 : index
    %get3A_4 = vector.load %arg3[%get3A_2, %get3A_3] : memref<128x1024xf32, #tpu.memory_space<vmem>>, vector<128x1024xf32>
    %dot_general3A = arith.constant dense<0.000000e+00> : vector<2560x1024xf32>
    %dot_general3A_5 = tpu.matmul %get3A_1, %get3A_4, %dot_general3A {dimension_numbers = #tpu.dot_dimension_numbers<[1], [0], [0], [1], [0, 0, 1, 1], [], []>, transpose_lhs_hint = false} : vector<2560x128xf32>, vector<128x1024xf32>, vector<2560x1024xf32> -> vector<2560x1024xf32>
    %get3A_6 = arith.constant 0 : index
    %get3A_7 = arith.constant 0 : index
    %get3A_8 = vector.load %arg4[%get3A_6, %get3A_7] : memref<1x1024xf32, #tpu.memory_space<vmem>>, vector<1x1024xf32>
    %add3A = vector.broadcast %get3A_8 : vector<1x1024xf32> to vector<2560x1024xf32>
    %add3A_9 = arith.addf %dot_general3A_5, %add3A : vector<2560x1024xf32>
    %swap3A = arith.constant 0 : index
    %swap3A_10 = arith.constant 0 : index
    %swap3A_11 = vector.load %arg5[%swap3A, %swap3A_10] : memref<2560x1024xf32, #tpu.memory_space<vmem>>, vector<2560x1024xf32>
    tpu.vector_store %arg5[%swap3A, %swap3A_10], %add3A_9 {strides = array<i32>} : memref<2560x1024xf32, #tpu.memory_space<vmem>>, vector<2560x1024xf32>,
    return
  }
  func.func @transform_1(%arg0: i32) -> (i32, i32) {
    %add3A = arith.constant 0 : i32
    %add3A_0 = arith.addi %add3A, %arg0 : i32
    %c0_i32 = arith.constant 0 : i32
    %c0_i32_1 = arith.constant 0 : i32
    return %add3A_0, %c0_i32 : i32, i32
  }
  func.func @transform_2(%arg0: i32) -> (i32, i32) {
    %c0_i32 = arith.constant 0 : i32
    %c0_i32_0 = arith.constant 0 : i32
    %c0_i32_1 = arith.constant 0 : i32
    return %c0_i32, %c0_i32_0 : i32, i32
  }
  func.func @transform_3(%arg0: i32) -> (i32, i32) {
    %c0_i32 = arith.constant 0 : i32
    %c0_i32_0 = arith.constant 0 : i32
    %c0_i32_1 = arith.constant 0 : i32
    return %c0_i32, %c0_i32_0 : i32, i32
  }
  func.func @transform_4(%arg0: i32) -> (i32, i32) {
    %add3A = arith.constant 15 : i32
    %add3A_0 = arith.addi %add3A, %arg0 : i32
    %c0_i32 = arith.constant 0 : i32
    %c0_i32_1 = arith.constant 0 : i32
    return %add3A_0, %c0_i32 : i32, i32
  }
}

</mosaic_0001>

<sc_bundles>
// kernel: kernel.10.cloned.1.call-start
scs
__scs_entry_jumppad:
0x0: {  	(pc) =	sbr.rel $0x88, $3  }
0x1: {  	(tag) =	ssettag $0x0;
	lr =	simm.s32 $0x1  }
0x2: {  	[smem:$0x3F9D] =	sst lr;
	_ =	strace $0xD0000000  }
0x3: {  	_ = 	snop  }
0x4: {  	_ = 	snop  }
0x5: {  	_ = 	snop  }
0x6: {  	_ = 	snop  }
0x7: {  	_ = 	snop  }
__scs_overlays_trampoline_lowered:
0x8: {  	[smem:$0x3FAC] =	sst s0  }
0x9: {  	[smem:$0x3FAD] =	sst s1  }
0xa: {  	[smem:$0x3FAE] =	sst s2  }
0xb: {  	[smem:$0x3FAF] =	sst s3  }
0xc: {  	[smem:$0x3FB0] =	sst s4  }
0xd: {  	[smem:$0x3FB1] =	sst s5  }
0xe: {  	[smem:$0x3FB2] =	sst s6  }
0xf: {  	[smem:$0x3FB3] =	sst s7  }
0x10: {  	[smem:$0x3FB4] =	sst s8  }
0x11: {  	[smem:$0x3FB5] =	sst s9;
	s0 =	simm.s32 @!p0 $0x0  }
0x12: {  	s1 =	sld [smem:$0x3F9B];
	s0 =	simm.s32 @p0 $0x1  }
0x13: {  	[smem:$0x3FB6] =	sst s0;
	s0 =	simm.s32 @!p1 $0x0  }
0x14: {  	s2 =	sld [smem:$0x3F9A];
	s0 =	simm.s32 @p1 $0x1  }
0x15: {  	[smem:$0x3FB7] =	sst s0;
	s0 =	simm.s32 @!p2 $0x0  }
0x16: {  	s3 =	sld [smem:$0x3FDB];
	s0 =	simm.s32 @p2 $0x1  }
0x17: {  	s4 =	simm.s32 $0x1BF5;
	[smem:$0x3FB9] =	sst s0  }
0x18: {  	s0 =	sld [smem:$0x3F9C];
	_ =	swait.ge [sflag:s4], $0x0  }
0x19: {  	s7 =	sld [smem:$0x3F9D]  }
0x1a: {  	s8 =	sadd.s32 $0xFFFFE003, lr  }
0x1b: {  	s9 =	sadd.s32 $0xFFFFFEF7, lr;
	s5 =	simm.s32 $0xFFFFFFFF;
	p2 =	slt.u32 s8, $0xFFFFF086  }
0x1c: {  	p1 =	slt.u32 s9, $0xF7A;
	s5 =	simm.s32 @!p2 $0x0  }
0x1d: {  	s5 =	simm.s32 @p1 $0x1;
	p0 =	seq.s32 s7, s2  }
0x1e: {  	s7 =	smul.u32 @!p0 $0xF7A, s2;
	p2 =	seq.s32 @!p0 s5, $0x0  }
0x1f: {  	s9 =	smul.u32 $0xF7A, s1;
	s8 =	simm.s32 @!p0 $0x1BF5;
	p2 =	por !p2, p0  }
0x20: {  	[sflag:s8] =	ssyncset.s32 @!p0 $0xFFFFF086;
	s6 =	sadd.s32 @!p0 s3, s7;
	s7 =	simm.s32 @!p0 $0x108  }
0x21: {  	s3 =	sadd.s32 s3, s9;
	s6 =	sadd.s32 @!p0 $0x88, s6;
	s7 =	simm.s32 @p2 $0x1082  }
0x22: {  	[simem:s7], [sflag:s8] =	dma.local @!p0 [hbm:s6], $0xF7A  }
0x23: {  	s9 =	sor.u32 $0xD0000000, s2;
	s6 =	simm.s32 $0x108;
	_ =	swait.ge @!p0 [sflag:s8], $0x0  }
0x24: {  	s3 =	sadd.s32 $0x88, s3;
	s6 =	simm.s32 @!p1 $0x1082;
	[sflag:s4] =	ssyncset.s32 $0xFFFFF086  }
0x25: {  	[simem:s6], [sflag:s4] =	dma.local [hbm:s3], $0xF7A  }
0x26: {  	[smem:$0x3F9D] =	sst s1;
	(tag) =	ssettag s2;
	_ =	strace s9  }
0x27: {  	s1 =	sld [smem:$0x3FAD]  }
0x28: {  	s2 =	sld [smem:$0x3FAE]  }
0x29: {  	s4 =	sld [smem:$0x3FB0]  }
0x2a: {  	p0 =	seq.s32 s5, $0x0;
	s5 =	sld [smem:$0x3FB1]  }
0x2b: {  	s6 =	sld [smem:$0x3FB2]  }
0x2c: {  	s7 =	sld [smem:$0x3FB3]  }
0x2d: {  	s3 =	simm.s32 $0x108;
	s8 =	sld [smem:$0x3FB4]  }
0x2e: {  	s3 =	simm.s32 @!p0 $0x1082;
	s9 =	sld [smem:$0x3FB5]  }
0x2f: {  	lr =	sadd.s32 s0, s3;
	s0 =	sld [smem:$0x3FAC]  }
0x30: {  	s3 =	sld [smem:$0x3FAF]  }
0x31: {  	[smem:$0x3FB8] =	sst s10  }
0x32: {  	s10 =	sld [smem:$0x3FB6];
	_ =	sdelay $0x3  }
0x33: {  	p0 =	seq.s32 s10, $0x1;
	s10 =	sld [smem:$0x3FB8];
	_ =	sdelay $0x3  }
0x34: {  	[smem:$0x3FB8] =	sst s10  }
0x35: {  	s10 =	sld [smem:$0x3FB7];
	_ =	sdelay $0x3  }
0x36: {  	p1 =	seq.s32 s10, $0x1;
	s10 =	sld [smem:$0x3FB8];
	_ =	sdelay $0x3  }
0x37: {  	[smem:$0x3FB8] =	sst s10  }
0x38: {  	s10 =	sld [smem:$0x3FB9]  }
0x39: {  	_ = 	snop;
	(pc) =	sbr.ind lr, $3  }
0x3a: {  	_ = 	snop  }
0x3b: {  	_ = 	snop  }
0x3c: {  	p2 =	seq.s32 s10, $0x1;
	s10 =	sld [smem:$0x3FB8]  }
0x3d: {  	_ =	shalt  }
0x3e: {  	_ =	shalt  }
0x3f: {  	_ =	shalt  }
0x40: {  	_ =	shalt  }
0x41: {  	_ =	shalt  }
0x42: {  	_ =	shalt  }
0x43: {  	_ =	shalt  }
0x44: {  	_ =	shalt  }
0x45: {  	_ =	shalt  }
0x46: {  	_ =	shalt  }
0x47: {  	_ =	shalt  }
0x48: {  	_ =	shalt  }
0x49: {  	_ =	shalt  }
0x4a: {  	_ =	shalt  }
0x4b: {  	_ =	shalt  }
0x4c: {  	_ =	shalt  }
0x4d: {  	_ =	shalt  }
0x4e: {  	_ =	shalt  }
0x4f: {  	_ =	shalt  }
0x50: {  	_ =	shalt  }
0x51: {  	_ =	shalt  }
0x52: {  	_ =	shalt  }
0x53: {  	_ =	shalt  }
0x54: {  	_ =	shalt  }
0x55: {  	_ =	shalt  }
0x56: {  	_ =	shalt  }
0x57: {  	_ =	shalt  }
0x58: {  	_ =	shalt  }
0x59: {  	_ =	shalt  }
0x5a: {  	_ =	shalt  }
0x5b: {  	_ =	shalt  }
0x5c: {  	_ =	shalt  }
0x5d: {  	_ =	shalt  }
0x5e: {  	_ =	shalt  }
0x5f: {  	_ =	shalt  }
0x60: {  	_ =	shalt  }
0x61: {  	_ =	shalt  }
0x62: {  	_ =	shalt  }
0x63: {  	_ =	shalt  }
0x64: {  	_ =	shalt  }
0x65: {  	_ =	shalt  }
0x66: {  	_ =	shalt  }
0x67: {  	_ =	shalt  }
0x68: {  	_ =	shalt  }
0x69: {  	_ =	shalt  }
0x6a: {  	_ =	shalt  }
0x6b: {  	_ =	shalt  }
0x6c: {  	_ =	shalt  }
0x6d: {  	_ =	shalt  }
0x6e: {  	_ =	shalt  }
0x6f: {  	_ =	shalt  }
0x70: {  	_ =	shalt  }
0x71: {  	_ =	shalt  }
0x72: {  	_ =	shalt  }
0x73: {  	_ =	shalt  }
0x74: {  	_ =	shalt  }
0x75: {  	_ =	shalt  }
0x76: {  	_ =	shalt  }
0x77: {  	_ =	shalt  }
0x78: {  	_ =	shalt  }
0x79: {  	_ =	shalt  }
0x7a: {  	_ =	shalt  }
0x7b: {  	_ =	shalt  }
0x7c: {  	_ =	shalt  }
0x7d: {  	_ =	shalt  }
0x7e: {  	_ =	shalt  }
0x7f: {  	_ =	shalt  }
0x80: {  	_ =	shalt  }
0x81: {  	_ =	shalt  }
0x82: {  	_ =	shalt  }
0x83: {  	_ =	shalt  }
0x84: {  	_ =	shalt  }
0x85: {  	_ =	shalt  }
0x86: {  	_ =	shalt  }
0x87: {  	_ =	shalt  }
.Lfunc_end0:
.L_simem_size_0:
called_computation_lowered:
.L_overlay_start_0:
0x88: {  	s2 =	sld [smem:$0x3FD9]  }
0x89: {  	s3 =	sld [smem:$0x3FFE];
	_ =	sdelay $0x1  }
0x8a: {  	s1 =	srdreg.scid  }
0x8b: {  	s0 =	sand.u32 $0x1, s1  }
0x8c: {  	s17 =	sshll.u32 s0, $0xA;
	s2 =	sadd.s32 s3, s2  }
0x8d: {  	s2 =	sadd.s32 s2, s17  }
0x8e: {  	[smem:$0x3FC4] =	sst s2  }
0x8f: {  	_ = 	snop  }
0x90: {  	s2 =	sld [smem:$0x3FC8]  }
0x91: {  	s18 =	sld [smem:$0x3FD0];
	(tm) =	ssettm $0x1  }
0x92: {  	s4 =	sld [smem:$0x3FFB];
	_ =	sdelay $0x3  }
0x93: {  	_ =	strace s4  }
0x94: {  	s4 =	sld [smem:$0x3FFC];
	_ =	sdelay $0x3  }
0x95: {  	_ =	strace s4  }
0x96: {  	s4 =	sld [smem:$0x3FFD];
	_ =	sdelay $0x3  }
0x97: {  	_ =	strace s4  }
0x98: {  	_ =	strace $0x8FFFFFFF  }
0x99: {  	s19 =	sld [smem:$0x3FDB];
	_ =	sdelay $0x1  }
0x9a: {  	s5 =	simm.s32 $_scs_section_size  }
0x9b: {  	s6 =	simm.s32 $_size__tile_overlayer_lowered;
	s7 =	simm.s32 $_tile_overlayer_lowered  }
0x9c: {  	s22 =	simm.s32 $0x1BFF;
	s21 =	sshll.u32 s7, $0x1;
	s4 =	sadd.s32 s5, s19  }
0x9d: {  	s8 =	simm.s32 $0x0;
	s20 =	sshll.u32 s6, $0x1;
	s6 =	sadd.s32 s21, s4  }
0x9e: {  	[timem:s8], [sflag:s22] =	dma.local [hbm:s6], s20  }
0x9f: {  	_ =	swait.ge [sflag:s22], s20  }
0xa0: {  	s5 =	ssub.s32 $0x0, s20;
	[sflag:s22] =	ssyncset.done $0x0  }
0xa1: {  	[sflag:s22] =	ssyncadd.s32 s5;
	_ =	sdelay $0x1  }
0xa2: {  	s23 =	simm.s32 $0x1B8B  }
0xa3: {  	_ =	swait.ge [sflag:s23], $0x1  }
0xa4: {  	[sflag:s23] =	ssyncset.done $0x0  }
0xa5: {  	s25 =	simm.s32 $0x1B8E;
	s24 =	sld [smem:$0x3FFE];
	[sflag:s23] =	ssyncadd.s32 $0xFFFFFFFF  }
0xa6: {  	s26 =	simm.s32 $execute0_lowered;
	[smem:$0x3FD2] =	sst s25  }
0xa7: {  	s6 =	sshll.u32 s26, $0x1;
	_ =	strace $0x80000046;
	[dreg:$0x1] =	wrdreg $0xFFFFFFFF  }
0xa8: {  	s28 =	simm.s32 $_size_execute0_lowered;
	s4 =	sadd.s32 s4, s6;
	[dreg:$0x0] =	wrdreg $0x0  }
0xa9: {  	s6 =	sshll.u32 s28, $0x1;
	[dreg:$0x2] =	wrdreg s4  }
0xaa: {  	[dreg:$0x3] =	wrdreg s6  }
0xab: {  	[dreg:$0x4] =	wrdreg $0xC0  }
0xac: {  	_ =	task [dreg:s8], $0x5FFFF  }
0xad: {  	[dreg:$0x1] =	wrdreg $0xFFFFFFFF  }
0xae: {  	[dreg:$0x0] =	wrdreg $0x60  }
0xaf: {  	[dreg:$0x2] =	wrdreg s2  }
0xb0: {  	[dreg:$0x3] =	wrdreg s24  }
0xb1: {  	[dreg:$0x4] =	wrdreg s18  }
0xb2: {  	[dreg:$0x5] =	wrdreg $0x9  }
0xb3: {  	_ =	task.clear_ibuf [dreg:s8], $0x6FFFF;
	_ =	strace $0x90000046  }
0xb4: {  	s29 =	simm.s32 $0x9;
	_ =	strace $0x80000048  }
0xb5: {  	_ =	swait.ge [sflag:s29], $0x1  }
0xb6: {  	[sflag:s29] =	ssyncadd.s32 $0xFFFFFFFF  }
0xb7: {  	_ =	strace $0x90000048  }
0xb8: {  	_ =	sfence  }
0xb9: {  	s30 =	sld [smem:$0x0];
	_ =	sdelay $0x2  }
0xba: {  	s31 =	sshll.u32 s1, $0xD;
	s1 =	sshrl.u32 s1, $0x2  }
0xbb: {  	s3 =	sand.u32 $0x4000, s31;
	s1 =	sadd.s32 s1, s30  }
0xbc: {  	s0 =	sor.u32 s3, s0;
	s1 =	sshll.u32 s1, $0x11  }
0xbd: {  	s0 =	sor.u32 s1, s0  }
0xbe: {  	s0 =	sadd.s32 $0x8F2B, s0  }
0xbf: {  	[sflag:s0] =	ssyncadd.remote.s32 $0x1  }
0xc0: {  	_ =	sfence.sel $0xFFFF  }
0xc1: {  	[dreg:$0x0] =	wrdreg $0xFFFFFFFF;
	(pc) =	sbr.abs _section_cstart, $3  }
0xc2: {  	[dreg:$0x1] =	wrdreg $0xFFFFFFFF  }
0xc3: {  	_ =	task.clear_ibuf [dreg:s8], $0x2FFFF;
	_ =	strace $0x9FFFFFFF  }
0xc4: {  	(tm) =	ssettm $0x7FFFFFFF  }
0xc5: {  	_ =	shalt  }
tec
execute0_lowered:
.L_overlay_start_1:
0x0: {  	(tag) =	ssettag $0x1  }
0x1: {  	s1 =	srdreg.scid;
	s0 =	stileid.u32  }
0x2: {  	s2 =	rddreg [dreg:$0x0];
	s18 =	sand.u32 $0x1, s1;
	s30 =	sshll.u32 s0, $0x1  }
0x3: {  	s4 =	rddreg [dreg:$0x1];
	s11 =	sor.u32 s18, s30  }
0x4: {  	s12 =	rddreg [dreg:$0x2];
	s5 =	smul.u32 $0x32, s11  }
0x5: {  	s3 =	simm.s32 $0x0;
	s1 =	rddreg [dreg:$0x3]  }
0x6: {  	[smem:$0x7FF] =	sst s3;
	s4 =	sadd.s32 s5, s4  }
0x7: {  	_ =	strace $0x80000047;
	s5 =	sadd.s32 $0x1E00, s4;
	s4 =	simm.s32 $0x3  }
0x8: {  	[tilespmem:s3], [sflag:$0x3] =	stream.linear.gather [hbm4b:s5+s3], $0x190, $0x38;
	[tilespmem:$0x5200] =	vst v63  }
0x9: {  	_ =	swait.ge [sflag:s4], $0x190  }
0xa: {  	s6 =	simm.s32 $0x50;
	[sflag:s4] =	ssyncset.done $0x0  }
0xb: {  	s7 =	simm.s32 $0x200;
	s8 =	simm.s32 $0x1;
	[sflag:s4] =	ssyncadd.s32 $0xFFFFFE70  }
0xc: {  	[tilespmem:s7], [sflag:$0x1] =	stream.indirect.gather [hbm4b:s2+s6], $0x80, s3, s6, $0xb8;
	[tilespmem:$0x5200] =	vst v63  }
0xd: {  	_ =	swait.ge [sflag:s8], $0x2800  }
0xe: {  	[sflag:s8] =	ssyncset.done $0x0  }
0xf: {  	s9 =	simm.s32 $0x2A00;
	s10 =	smul.u32 $0x1900, s11;
	[sflag:s8] =	ssyncadd.s32 $0xFFFFD800  }
0x10: {  	[tilespmem:s9], [sflag:$0x2] =	stream.indirect.gather [hbm4b:s2+s6], $0x80, s6, s6, $0xb8;
	[tilespmem:$0x5200] =	vst v63  }
0x11: {  	s10 =	sadd.s32 s12, s10  }
0x12: {  	[hbm4b:s10+s3] =	stream.linear.scatter [tilespmem:s7], [sflag:$0x3], $0x2800, $0x38;
	[tilespmem:$0x5200] =	vst v63  }
0x13: {  	_ =	swait.ge [sflag:s4], $0x2800  }
0x14: {  	[sflag:s4] =	ssyncset.done $0x0  }
0x15: {  	s13 =	smul.u32 $0xC800, s11;
	s11 =	simm.s32 $0x2;
	[sflag:s4] =	ssyncadd.s32 $0xFFFFD800  }
0x16: {  	_ =	swait.ge [sflag:s11], $0x2800  }
0x17: {  	s13 =	sshrl.u32 s13, $0x3;
	[sflag:s11] =	ssyncset.done $0x0  }
0x18: {  	s19 =	sadd.s32 s12, s13;
	s12 =	simm.s32 $0xA0;
	[sflag:s11] =	ssyncadd.s32 $0xFFFFD800  }
0x19: {  	[tilespmem:s7], [sflag:$0x1] =	stream.indirect.gather [hbm4b:s2+s6], $0x80, s12, s6, $0xb8;
	[tilespmem:$0x5200] =	vst v63  }
0x1a: {  	s13 =	sadd.s32 $0x500, s19  }
0x1b: {  	[hbm4b:s13+s3] =	stream.linear.scatter [tilespmem:s9], [sflag:$0x3], $0x2800, $0x38;
	[tilespmem:$0x5200] =	vst v63  }
0x1c: {  	_ =	swait.ge [sflag:s4], $0x2800  }
0x1d: {  	[sflag:s4] =	ssyncset.done $0x0  }
0x1e: {  	[sflag:s4] =	ssyncadd.s32 $0xFFFFD800  }
0x1f: {  	_ =	swait.ge [sflag:s8], $0x2800  }
0x20: {  	[sflag:s8] =	ssyncset.done $0x0  }
0x21: {  	s14 =	simm.s32 $0xF0;
	[sflag:s8] =	ssyncadd.s32 $0xFFFFD800  }
0x22: {  	[tilespmem:s9], [sflag:$0x2] =	stream.indirect.gather [hbm4b:s2+s6], $0x80, s14, s6, $0xb8;
	[tilespmem:$0x5200] =	vst v63  }
0x23: {  	s15 =	sadd.s32 $0xA00, s19  }
0x24: {  	[hbm4b:s15+s3] =	stream.linear.scatter [tilespmem:s7], [sflag:$0x3], $0x2800, $0x38;
	[tilespmem:$0x5200] =	vst v63  }
0x25: {  	_ =	swait.ge [sflag:s4], $0x2800  }
0x26: {  	[sflag:s4] =	ssyncset.done $0x0  }
0x27: {  	[sflag:s4] =	ssyncadd.s32 $0xFFFFD800  }
0x28: {  	_ =	swait.ge [sflag:s11], $0x2800  }
0x29: {  	[sflag:s11] =	ssyncset.done $0x0  }
0x2a: {  	s16 =	simm.s32 $0x140;
	[sflag:s11] =	ssyncadd.s32 $0xFFFFD800  }
0x2b: {  	[tilespmem:s7], [sflag:$0x1] =	stream.indirect.gather [hbm4b:s2+s6], $0x80, s16, s6, $0xb8;
	[tilespmem:$0x5200] =	vst v63  }
0x2c: {  	s18 =	ssub.s32 $0x2, s18;
	s17 =	sadd.s32 $0xF00, s19  }
0x2d: {  	[hbm4b:s17+s3] =	stream.linear.scatter [tilespmem:s9], [sflag:$0x3], $0x2800, $0x38;
	[tilespmem:$0x5200] =	vst v63  }
0x2e: {  	s20 =	sshrl.u32 s18, $0x1;
	_ =	swait.ge [sflag:s4], $0x2800  }
0x2f: {  	s20 =	ssub.s32 s18, s20;
	[sflag:s4] =	ssyncset.done $0x0  }
0x30: {  	s31 =	smax.u32 s20, $0x1;
	[sflag:s4] =	ssyncadd.s32 $0xFFFFD800  }
0x31: {  	p0 =	sne.s32 s31, $0x1;
	_ =	swait.ge [sflag:s8], $0x2800  }
.Ltmp0:
0x32: {  	[sflag:s8] =	ssyncset.done $0x0;
	(pc) =	sbr.rel @!p0 .LBB2_2-.Ltmp0, $4  }
0x33: {  	s18 =	sadd.s32 $0x1400, s19;
	[sflag:s8] =	ssyncadd.s32 $0xFFFFD800  }
0x34: {  	[hbm4b:s18+s3] =	stream.linear.scatter [tilespmem:s7], [sflag:$0x3], $0x2800, $0x38;
	[tilespmem:$0x5200] =	vst v63  }
0x35: {  	_ =	swait.ge [sflag:s4], $0x2800  }
0x36: {  	s19 =	sadd.s32 $0xFFFFFFFF, s31;
	[sflag:s4] =	ssyncset.done $0x0  }
.LBB2_1:
0x37: {  	p0 =	sne.s32 s19, $0x1;
	s19 =	sadd.s32 $0xFFFFFFFF, s19;
	[sflag:s4] =	ssyncadd.s32 $0xFFFFD800  }
0x38: {  	[tilespmem:s3], [sflag:$0x3] =	stream.linear.gather [hbm4b:s5+s3], $0x190, $0x38;
	[tilespmem:$0x5200] =	vst v63  }
0x39: {  	_ =	swait.ge [sflag:s4], $0x190  }
0x3a: {  	[sflag:s4] =	ssyncset.done $0x0  }
0x3b: {  	[sflag:s4] =	ssyncadd.s32 $0xFFFFFE70  }
0x3c: {  	[tilespmem:s7], [sflag:$0x1] =	stream.indirect.gather [hbm4b:s2+s6], $0x80, s3, s6, $0xb8;
	[tilespmem:$0x5200] =	vst v63  }
0x3d: {  	_ =	swait.ge [sflag:s8], $0x2800  }
0x3e: {  	[sflag:s8] =	ssyncset.done $0x0  }
0x3f: {  	[sflag:s8] =	ssyncadd.s32 $0xFFFFD800  }
0x40: {  	[tilespmem:s9], [sflag:$0x2] =	stream.indirect.gather [hbm4b:s2+s6], $0x80, s6, s6, $0xb8;
	[tilespmem:$0x5200] =	vst v63  }
0x41: {  	_ = 	snop  }
0x42: {  	[hbm4b:s10+s3] =	stream.linear.scatter [tilespmem:s7], [sflag:$0x3], $0x2800, $0x38;
	[tilespmem:$0x5200] =	vst v63  }
0x43: {  	_ =	swait.ge [sflag:s4], $0x2800  }
0x44: {  	[sflag:s4] =	ssyncset.done $0x0  }
0x45: {  	[sflag:s4] =	ssyncadd.s32 $0xFFFFD800  }
0x46: {  	_ =	swait.ge [sflag:s11], $0x2800  }
0x47: {  	[sflag:s11] =	ssyncset.done $0x0  }
0x48: {  	[sflag:s11] =	ssyncadd.s32 $0xFFFFD800  }
0x49: {  	[tilespmem:s7], [sflag:$0x1] =	stream.indirect.gather [hbm4b:s2+s6], $0x80, s12, s6, $0xb8;
	[tilespmem:$0x5200] =	vst v63  }
0x4a: {  	_ = 	snop  }
0x4b: {  	[hbm4b:s13+s3] =	stream.linear.scatter [tilespmem:s9], [sflag:$0x3], $0x2800, $0x38;
	[tilespmem:$0x5200] =	vst v63  }
0x4c: {  	_ =	swait.ge [sflag:s4], $0x2800  }
0x4d: {  	[sflag:s4] =	ssyncset.done $0x0  }
0x4e: {  	[sflag:s4] =	ssyncadd.s32 $0xFFFFD800  }
0x4f: {  	_ =	swait.ge [sflag:s8], $0x2800  }
0x50: {  	[sflag:s8] =	ssyncset.done $0x0  }
0x51: {  	[sflag:s8] =	ssyncadd.s32 $0xFFFFD800  }
0x52: {  	[tilespmem:s9], [sflag:$0x2] =	stream.indirect.gather [hbm4b:s2+s6], $0x80, s14, s6, $0xb8;
	[tilespmem:$0x5200] =	vst v63  }
0x53: {  	_ = 	snop  }
0x54: {  	[hbm4b:s15+s3] =	stream.linear.scatter [tilespmem:s7], [sflag:$0x3], $0x2800, $0x38;
	[tilespmem:$0x5200] =	vst v63  }
0x55: {  	_ =	swait.ge [sflag:s4], $0x2800  }
0x56: {  	[sflag:s4] =	ssyncset.done $0x0  }
0x57: {  	[sflag:s4] =	ssyncadd.s32 $0xFFFFD800  }
0x58: {  	_ =	swait.ge [sflag:s11], $0x2800  }
0x59: {  	[sflag:s11] =	ssyncset.done $0x0  }
0x5a: {  	[sflag:s11] =	ssyncadd.s32 $0xFFFFD800  }
0x5b: {  	[tilespmem:s7], [sflag:$0x1] =	stream.indirect.gather [hbm4b:s2+s6], $0x80, s16, s6, $0xb8;
	[tilespmem:$0x5200] =	vst v63  }
0x5c: {  	_ = 	snop  }
0x5d: {  	[hbm4b:s17+s3] =	stream.linear.scatter [tilespmem:s9], [sflag:$0x3], $0x2800, $0x38;
	[tilespmem:$0x5200] =	vst v63  }
0x5e: {  	_ =	swait.ge [sflag:s4], $0x2800  }
0x5f: {  	[sflag:s4] =	ssyncset.done $0x0  }
0x60: {  	[sflag:s4] =	ssyncadd.s32 $0xFFFFD800  }
0x61: {  	_ =	swait.ge [sflag:s8], $0x2800  }
.Ltmp1:
0x62: {  	[sflag:s8] =	ssyncset.done $0x0;
	(pc) =	sbr.rel @p0 .LBB2_1-.Ltmp1, $4  }
0x63: {  	[sflag:s8] =	ssyncadd.s32 $0xFFFFD800  }
0x64: {  	[hbm4b:s18+s3] =	stream.linear.scatter [tilespmem:s7], [sflag:$0x3], $0x2800, $0x38;
	[tilespmem:$0x5200] =	vst v63  }
0x65: {  	_ =	swait.ge [sflag:s4], $0x2800  }
0x66: {  	[sflag:s4] =	ssyncset.done $0x0  }
.LBB2_2:
0x67: {  	[sflag:s4] =	ssyncadd.s32 $0xFFFFD800  }
0x68: {  	_ =	sfence.sel $0x180000  }
0x69: {  	[bflag:$0x0] =	sbarrier.arrive $0xFFFF  }
0x6a: {  	p0 =	sne.s32 s0, $0x0;
	_ =	strace $0x90000047  }
0x6b: {  	s0 =	sadd.s32 @!p0 $0x100000, s1;
	[bflag:$0x2] =	sbarrier.arrive $0xFFFF  }
0x6c: {  	[sflag:s0] =	ssyncadd.tile.s32 @!p0 $0x1;
	_ =	shalt  }
.Lfunc_end2:
_tile_overlayer_lowered:
.L_overlay_start_2:
0x6d: {  	(tag) =	ssettag $0x2  }
0x6e: {  	s0 =	rddreg [dreg:$0x0];
	s2 =	stileid.u32  }
0x6f: {  	s1 =	rddreg [dreg:$0x1];
	p0 =	sne.s32 s2, $0x0  }
0x70: {  	s3 =	rddreg [dreg:$0x2];
	[bflag:$0x3] =	sbarrier.arrive $0xFFFF;
	s2 =	simm.s32 @!p0 $0x1C03  }
0x71: {  	[timem:s3], [sflag:s2] =	dma.local @!p0 [hbm:s0], s1  }
0x72: {  	s0 =	simm.s32 @!p0 $0x3  }
0x73: {  	_ =	swait.ge @!p0 [sflag:s0], s1  }
0x74: {  	s1 =	ssub.s32 @!p0 $0x0, s1;
	[sflag:s0] =	ssyncset.done @!p0 $0x0  }
0x75: {  	[sflag:s0] =	ssyncadd.s32 @!p0 s1  }
0x76: {  	[bflag:$0x3] =	sbarrier.arrive $0xFFFF  }
0x77: {  	_ =	shalt  }

// kernel: kernel.13.cloned.1.call-start
scs
__scs_entry_jumppad:
0x0: {  	(pc) =	sbr.rel $0x88, $3  }
0x1: {  	(tag) =	ssettag $0x0;
	lr =	simm.s32 $0x1  }
0x2: {  	[smem:$0x3F9D] =	sst lr;
	_ =	strace $0xD0000000  }
0x3: {  	_ = 	snop  }
0x4: {  	_ = 	snop  }
0x5: {  	_ = 	snop  }
0x6: {  	_ = 	snop  }
0x7: {  	_ = 	snop  }
__scs_overlays_trampoline_lowered:
0x8: {  	[smem:$0x3FAC] =	sst s0  }
0x9: {  	[smem:$0x3FAD] =	sst s1  }
0xa: {  	[smem:$0x3FAE] =	sst s2  }
0xb: {  	[smem:$0x3FAF] =	sst s3  }
0xc: {  	[smem:$0x3FB0] =	sst s4  }
0xd: {  	[smem:$0x3FB1] =	sst s5  }
0xe: {  	[smem:$0x3FB2] =	sst s6  }
0xf: {  	[smem:$0x3FB3] =	sst s7  }
0x10: {  	[smem:$0x3FB4] =	sst s8  }
0x11: {  	[smem:$0x3FB5] =	sst s9;
	s0 =	simm.s32 @!p0 $0x0  }
0x12: {  	s1 =	sld [smem:$0x3F9B];
	s0 =	simm.s32 @p0 $0x1  }
0x13: {  	[smem:$0x3FB6] =	sst s0;
	s0 =	simm.s32 @!p1 $0x0  }
0x14: {  	s2 =	sld [smem:$0x3F9A];
	s0 =	simm.s32 @p1 $0x1  }
0x15: {  	[smem:$0x3FB7] =	sst s0;
	s0 =	simm.s32 @!p2 $0x0  }
0x16: {  	s3 =	sld [smem:$0x3FDB];
	s0 =	simm.s32 @p2 $0x1  }
0x17: {  	s4 =	simm.s32 $0x1BF5;
	[smem:$0x3FB9] =	sst s0  }
0x18: {  	s0 =	sld [smem:$0x3F9C];
	_ =	swait.ge [sflag:s4], $0x0  }
0x19: {  	s7 =	sld [smem:$0x3F9D]  }
0x1a: {  	s8 =	sadd.s32 $0xFFFFE003, lr  }
0x1b: {  	s9 =	sadd.s32 $0xFFFFFEF7, lr;
	s5 =	simm.s32 $0xFFFFFFFF;
	p2 =	slt.u32 s8, $0xFFFFF086  }
0x1c: {  	p1 =	slt.u32 s9, $0xF7A;
	s5 =	simm.s32 @!p2 $0x0  }
0x1d: {  	s5 =	simm.s32 @p1 $0x1;
	p0 =	seq.s32 s7, s2  }
0x1e: {  	s7 =	smul.u32 @!p0 $0xF7A, s2;
	p2 =	seq.s32 @!p0 s5, $0x0  }
0x1f: {  	s9 =	smul.u32 $0xF7A, s1;
	s8 =	simm.s32 @!p0 $0x1BF5;
	p2 =	por !p2, p0  }
0x20: {  	[sflag:s8] =	ssyncset.s32 @!p0 $0xFFFFF086;
	s6 =	sadd.s32 @!p0 s3, s7;
	s7 =	simm.s32 @!p0 $0x108  }
0x21: {  	s3 =	sadd.s32 s3, s9;
	s6 =	sadd.s32 @!p0 $0x88, s6;
	s7 =	simm.s32 @p2 $0x1082  }
0x22: {  	[simem:s7], [sflag:s8] =	dma.local @!p0 [hbm:s6], $0xF7A  }
0x23: {  	s9 =	sor.u32 $0xD0000000, s2;
	s6 =	simm.s32 $0x108;
	_ =	swait.ge @!p0 [sflag:s8], $0x0  }
0x24: {  	s3 =	sadd.s32 $0x88, s3;
	s6 =	simm.s32 @!p1 $0x1082;
	[sflag:s4] =	ssyncset.s32 $0xFFFFF086  }
0x25: {  	[simem:s6], [sflag:s4] =	dma.local [hbm:s3], $0xF7A  }
0x26: {  	[smem:$0x3F9D] =	sst s1;
	(tag) =	ssettag s2;
	_ =	strace s9  }
0x27: {  	s1 =	sld [smem:$0x3FAD]  }
0x28: {  	s2 =	sld [smem:$0x3FAE]  }
0x29: {  	s4 =	sld [smem:$0x3FB0]  }
0x2a: {  	p0 =	seq.s32 s5, $0x0;
	s5 =	sld [smem:$0x3FB1]  }
0x2b: {  	s6 =	sld [smem:$0x3FB2]  }
0x2c: {  	s7 =	sld [smem:$0x3FB3]  }
0x2d: {  	s3 =	simm.s32 $0x108;
	s8 =	sld [smem:$0x3FB4]  }
0x2e: {  	s3 =	simm.s32 @!p0 $0x1082;
	s9 =	sld [smem:$0x3FB5]  }
0x2f: {  	lr =	sadd.s32 s0, s3;
	s0 =	sld [smem:$0x3FAC]  }
0x30: {  	s3 =	sld [smem:$0x3FAF]  }
0x31: {  	[smem:$0x3FB8] =	sst s10  }
0x32: {  	s10 =	sld [smem:$0x3FB6];
	_ =	sdelay $0x3  }
0x33: {  	p0 =	seq.s32 s10, $0x1;
	s10 =	sld [smem:$0x3FB8];
	_ =	sdelay $0x3  }
0x34: {  	[smem:$0x3FB8] =	sst s10  }
0x35: {  	s10 =	sld [smem:$0x3FB7];
	_ =	sdelay $0x3  }
0x36: {  	p1 =	seq.s32 s10, $0x1;
	s10 =	sld [smem:$0x3FB8];
	_ =	sdelay $0x3  }
0x37: {  	[smem:$0x3FB8] =	sst s10  }
0x38: {  	s10 =	sld [smem:$0x3FB9]  }
0x39: {  	_ = 	snop;
	(pc) =	sbr.ind lr, $3  }
0x3a: {  	_ = 	snop  }
0x3b: {  	_ = 	snop  }
0x3c: {  	p2 =	seq.s32 s10, $0x1;
	s10 =	sld [smem:$0x3FB8]  }
0x3d: {  	_ =	shalt  }
0x3e: {  	_ =	shalt  }
0x3f: {  	_ =	shalt  }
0x40: {  	_ =	shalt  }
0x41: {  	_ =	shalt  }
0x42: {  	_ =	shalt  }
0x43: {  	_ =	shalt  }
0x44: {  	_ =	shalt  }
0x45: {  	_ =	shalt  }
0x46: {  	_ =	shalt  }
0x47: {  	_ =	shalt  }
0x48: {  	_ =	shalt  }
0x49: {  	_ =	shalt  }
0x4a: {  	_ =	shalt  }
0x4b: {  	_ =	shalt  }
0x4c: {  	_ =	shalt  }
0x4d: {  	_ =	shalt  }
0x4e: {  	_ =	shalt  }
0x4f: {  	_ =	shalt  }
0x50: {  	_ =	shalt  }
0x51: {  	_ =	shalt  }
0x52: {  	_ =	shalt  }
0x53: {  	_ =	shalt  }
0x54: {  	_ =	shalt  }
0x55: {  	_ =	shalt  }
0x56: {  	_ =	shalt  }
0x57: {  	_ =	shalt  }
0x58: {  	_ =	shalt  }
0x59: {  	_ =	shalt  }
0x5a: {  	_ =	shalt  }
0x5b: {  	_ =	shalt  }
0x5c: {  	_ =	shalt  }
0x5d: {  	_ =	shalt  }
0x5e: {  	_ =	shalt  }
0x5f: {  	_ =	shalt  }
0x60: {  	_ =	shalt  }
0x61: {  	_ =	shalt  }
0x62: {  	_ =	shalt  }
0x63: {  	_ =	shalt  }
0x64: {  	_ =	shalt  }
0x65: {  	_ =	shalt  }
0x66: {  	_ =	shalt  }
0x67: {  	_ =	shalt  }
0x68: {  	_ =	shalt  }
0x69: {  	_ =	shalt  }
0x6a: {  	_ =	shalt  }
0x6b: {  	_ =	shalt  }
0x6c: {  	_ =	shalt  }
0x6d: {  	_ =	shalt  }
0x6e: {  	_ =	shalt  }
0x6f: {  	_ =	shalt  }
0x70: {  	_ =	shalt  }
0x71: {  	_ =	shalt  }
0x72: {  	_ =	shalt  }
0x73: {  	_ =	shalt  }
0x74: {  	_ =	shalt  }
0x75: {  	_ =	shalt  }
0x76: {  	_ =	shalt  }
0x77: {  	_ =	shalt  }
0x78: {  	_ =	shalt  }
0x79: {  	_ =	shalt  }
0x7a: {  	_ =	shalt  }
0x7b: {  	_ =	shalt  }
0x7c: {  	_ =	shalt  }
0x7d: {  	_ =	shalt  }
0x7e: {  	_ =	shalt  }
0x7f: {  	_ =	shalt  }
0x80: {  	_ =	shalt  }
0x81: {  	_ =	shalt  }
0x82: {  	_ =	shalt  }
0x83: {  	_ =	shalt  }
0x84: {  	_ =	shalt  }
0x85: {  	_ =	shalt  }
0x86: {  	_ =	shalt  }
0x87: {  	_ =	shalt  }
.Lfunc_end0:
.L_simem_size_0:
called_computation.1_lowered:
.L_overlay_start_0:
0x88: {  	s2 =	sld [smem:$0x3FD9]  }
0x89: {  	s3 =	sld [smem:$0x3FFE];
	_ =	sdelay $0x1  }
0x8a: {  	s1 =	srdreg.scid  }
0x8b: {  	s0 =	sand.u32 $0x1, s1  }
0x8c: {  	s17 =	sshll.u32 s0, $0xA;
	s2 =	sadd.s32 s3, s2  }
0x8d: {  	s2 =	sadd.s32 s2, s17  }
0x8e: {  	[smem:$0x3FC4] =	sst s2  }
0x8f: {  	_ = 	snop  }
0x90: {  	s18 =	sld [smem:$0x3FC8];
	(tm) =	ssettm $0x1  }
0x91: {  	s19 =	sld [smem:$0x3FFB];
	_ =	sdelay $0x3  }
0x92: {  	_ =	strace s19  }
0x93: {  	s2 =	sld [smem:$0x3FFC];
	_ =	sdelay $0x3  }
0x94: {  	_ =	strace s2  }
0x95: {  	s2 =	sld [smem:$0x3FFD];
	_ =	sdelay $0x3  }
0x96: {  	_ =	strace s2  }
0x97: {  	_ =	strace $0x8FFFFFFF  }
0x98: {  	s20 =	sld [smem:$0x3FDB];
	_ =	sdelay $0x1  }
0x99: {  	s4 =	simm.s32 $_scs_section_size  }
0x9a: {  	s5 =	simm.s32 $_size__tile_overlayer_lowered;
	s6 =	simm.s32 $_tile_overlayer_lowered  }
0x9b: {  	s7 =	simm.s32 $0x1BFF;
	s21 =	sshll.u32 s6, $0x1;
	s4 =	sadd.s32 s4, s20  }
0x9c: {  	s22 =	simm.s32 $0x0;
	s5 =	sshll.u32 s5, $0x1;
	s6 =	sadd.s32 s21, s4  }
0x9d: {  	[timem:s22], [sflag:s7] =	dma.local [hbm:s6], s5  }
0x9e: {  	_ =	swait.ge [sflag:s7], s5  }
0x9f: {  	s5 =	ssub.s32 $0x0, s5;
	[sflag:s7] =	ssyncset.done $0x0  }
0xa0: {  	[sflag:s7] =	ssyncadd.s32 s5;
	_ =	sdelay $0x1  }
0xa1: {  	s23 =	simm.s32 $0x1B8B  }
0xa2: {  	_ =	swait.ge [sflag:s23], $0x1  }
0xa3: {  	[sflag:s23] =	ssyncset.done $0x0  }
0xa4: {  	[sflag:s23] =	ssyncadd.s32 $0xFFFFFFFF  }
0xa5: {  	s5 =	sld [smem:$0x0]  }
0xa6: {  	s6 =	sand.u32 $0xFFFFFFFE, s1  }
0xa7: {  	p0 =	sne.s32 s1, s6  }
0xa8: {  	s6 =	sshll.u32 @p0 s6, $0xE  }
0xa9: {  	s6 =	sadd.s32 @p0 $0x11B8D, s6;
	s7 =	sshll.u32 @p0 s5, $0x11  }
0xaa: {  	s6 =	sor.u32 @p0 s7, s6  }
0xab: {  	[sflag:s6] =	ssyncadd.remote.s32 @p0 $0x1;
	_ =	sdelay $0x1  }
0xac: {  	s6 =	simm.s32 @p0 $0x1B8D  }
0xad: {  	_ =	swait.eq @p0 [sflag:s6], $0x1  }
0xae: {  	[sflag:s6] =	ssyncadd.s32 @p0 $0xFFFFFFFF  }
0xaf: {  	s7 =	sshll.u32 @!p0 s1, $0xE  }
0xb0: {  	s7 =	sor.u32 @!p0 $0x4000, s7;
	s6 =	simm.s32 @!p0 $0x1B8D  }
0xb1: {  	s5 =	sshll.u32 @!p0 s5, $0x11;
	s7 =	sadd.s32 @!p0 $0x11B8D, s7;
	_ =	swait.eq @!p0 [sflag:s6], $0x1  }
0xb2: {  	s5 =	sor.u32 @!p0 s5, s7;
	[sflag:s6] =	ssyncadd.s32 @!p0 $0xFFFFFFFF  }
0xb3: {  	s25 =	simm.s32 $0x1B8E;
	s24 =	sld [smem:$0x3FFE];
	[sflag:s5] =	ssyncadd.remote.s32 @!p0 $0x1  }
0xb4: {  	s26 =	simm.s32 $execute0_lowered;
	[smem:$0x3FD2] =	sst s25  }
0xb5: {  	s6 =	sshll.u32 s26, $0x1;
	_ =	strace $0x80000049;
	[dreg:$0x1] =	wrdreg $0xFFFFFFFF  }
0xb6: {  	s28 =	simm.s32 $_size_execute0_lowered;
	s4 =	sadd.s32 s4, s6;
	[dreg:$0x0] =	wrdreg $0x0  }
0xb7: {  	s6 =	sshll.u32 s28, $0x1;
	[dreg:$0x2] =	wrdreg s4  }
0xb8: {  	[dreg:$0x3] =	wrdreg s6  }
0xb9: {  	[dreg:$0x4] =	wrdreg $0xC0  }
0xba: {  	_ =	task [dreg:s22], $0x5FFFF  }
0xbb: {  	[dreg:$0x1] =	wrdreg $0xFFFFFFFF  }
0xbc: {  	[dreg:$0x0] =	wrdreg $0x60  }
0xbd: {  	[dreg:$0x2] =	wrdreg s18  }
0xbe: {  	[dreg:$0x3] =	wrdreg s24  }
0xbf: {  	[dreg:$0x4] =	wrdreg $0xA  }
0xc0: {  	_ =	task.clear_ibuf [dreg:s22], $0x5FFFF;
	_ =	strace $0x90000049  }
0xc1: {  	s29 =	simm.s32 $0xA;
	_ =	strace $0x8000004B  }
0xc2: {  	_ =	swait.ge [sflag:s29], $0x1  }
0xc3: {  	[sflag:s29] =	ssyncadd.s32 $0xFFFFFFFF  }
0xc4: {  	_ =	strace $0x9000004B  }
0xc5: {  	_ =	sfence  }
0xc6: {  	s30 =	sld [smem:$0x0];
	_ =	sdelay $0x2  }
0xc7: {  	s31 =	sshll.u32 s1, $0xD;
	s1 =	sshrl.u32 s1, $0x2  }
0xc8: {  	s4 =	sand.u32 $0x4000, s31;
	s1 =	sadd.s32 s1, s30  }
0xc9: {  	s0 =	sor.u32 s4, s0;
	s1 =	sshll.u32 s1, $0x11  }
0xca: {  	s0 =	sor.u32 s1, s0  }
0xcb: {  	s0 =	sadd.s32 $0x8F2B, s0  }
0xcc: {  	[sflag:s0] =	ssyncadd.remote.s32 $0x1  }
0xcd: {  	_ =	sfence.sel $0xFFFF  }
0xce: {  	[dreg:$0x0] =	wrdreg $0xFFFFFFFF;
	(pc) =	sbr.abs _section_cstart, $3  }
0xcf: {  	[dreg:$0x1] =	wrdreg $0xFFFFFFFF  }
0xd0: {  	_ =	task.clear_ibuf [dreg:s22], $0x2FFFF;
	_ =	strace $0x9FFFFFFF  }
0xd1: {  	(tm) =	ssettm $0x7FFFFFFF  }
tec
execute0_lowered:
.L_overlay_start_1:
0x0: {  	(tag) =	ssettag $0x1  }
0x1: {  	s1 =	srdreg.scid;
	s0 =	stileid.u32  }
0x2: {  	s18 =	sand.u32 $0x1, s1;
	s30 =	sshll.u32 s0, $0x1  }
0x3: {  	s2 =	rddreg [dreg:$0x0];
	s11 =	sor.u32 s18, s30  }
0x4: {  	s9 =	rddreg [dreg:$0x1];
	s4 =	smul.u32 $0x32, s11  }
0x5: {  	s3 =	simm.s32 $0x0;
	s1 =	rddreg [dreg:$0x2]  }
0x6: {  	[smem:$0x7FF] =	sst s3;
	s4 =	sadd.s32 s4, s9  }
0x7: {  	_ =	strace $0x8000004A;
	s5 =	sadd.s32 $0x2600, s4;
	s4 =	simm.s32 $0x3  }
0x8: {  	[tilespmem:s3], [sflag:$0x3] =	stream.linear.gather [hbm4b:s5+s3], $0x190, $0x38;
	[tilespmem:$0x5200] =	vst v63  }
0x9: {  	_ =	swait.ge [sflag:s4], $0x190  }
0xa: {  	s6 =	simm.s32 $0x50;
	[sflag:s4] =	ssyncset.done $0x0  }
0xb: {  	s7 =	simm.s32 $0x200;
	s8 =	simm.s32 $0x1;
	[sflag:s4] =	ssyncadd.s32 $0xFFFFFE70  }
0xc: {  	[tilespmem:s7], [sflag:$0x1] =	stream.indirect.gather [hbm4b:s2+s6], $0x80, s3, s6, $0xb8;
	[tilespmem:$0x5200] =	vst v63  }
0xd: {  	_ =	swait.ge [sflag:s8], $0x2800  }
0xe: {  	s12 =	sadd.s32 $0x3E00, s9;
	[sflag:s8] =	ssyncset.done $0x0  }
0xf: {  	s10 =	smul.u32 $0x1900, s11;
	s9 =	simm.s32 $0x2A00;
	[sflag:s8] =	ssyncadd.s32 $0xFFFFD800  }
0x10: {  	[tilespmem:s9], [sflag:$0x2] =	stream.indirect.gather [hbm4b:s2+s6], $0x80, s6, s6, $0xb8;
	[tilespmem:$0x5200] =	vst v63  }
0x11: {  	s10 =	sadd.s32 s12, s10  }
0x12: {  	[hbm4b:s10+s3] =	stream.linear.scatter [tilespmem:s7], [sflag:$0x3], $0x2800, $0x38;
	[tilespmem:$0x5200] =	vst v63  }
0x13: {  	_ =	swait.ge [sflag:s4], $0x2800  }
0x14: {  	[sflag:s4] =	ssyncset.done $0x0  }
0x15: {  	s13 =	smul.u32 $0xC800, s11;
	s11 =	simm.s32 $0x2;
	[sflag:s4] =	ssyncadd.s32 $0xFFFFD800  }
0x16: {  	_ =	swait.ge [sflag:s11], $0x2800  }
0x17: {  	s13 =	sshrl.u32 s13, $0x3;
	[sflag:s11] =	ssyncset.done $0x0  }
0x18: {  	s19 =	sadd.s32 s12, s13;
	s12 =	simm.s32 $0xA0;
	[sflag:s11] =	ssyncadd.s32 $0xFFFFD800  }
0x19: {  	[tilespmem:s7], [sflag:$0x1] =	stream.indirect.gather [hbm4b:s2+s6], $0x80, s12, s6, $0xb8;
	[tilespmem:$0x5200] =	vst v63  }
0x1a: {  	s13 =	sadd.s32 $0x500, s19  }
0x1b: {  	[hbm4b:s13+s3] =	stream.linear.scatter [tilespmem:s9], [sflag:$0x3], $0x2800, $0x38;
	[tilespmem:$0x5200] =	vst v63  }
0x1c: {  	_ =	swait.ge [sflag:s4], $0x2800  }
0x1d: {  	[sflag:s4] =	ssyncset.done $0x0  }
0x1e: {  	[sflag:s4] =	ssyncadd.s32 $0xFFFFD800  }
0x1f: {  	_ =	swait.ge [sflag:s8], $0x2800  }
0x20: {  	[sflag:s8] =	ssyncset.done $0x0  }
0x21: {  	s14 =	simm.s32 $0xF0;
	[sflag:s8] =	ssyncadd.s32 $0xFFFFD800  }
0x22: {  	[tilespmem:s9], [sflag:$0x2] =	stream.indirect.gather [hbm4b:s2+s6], $0x80, s14, s6, $0xb8;
	[tilespmem:$0x5200] =	vst v63  }
0x23: {  	s15 =	sadd.s32 $0xA00, s19  }
0x24: {  	[hbm4b:s15+s3] =	stream.linear.scatter [tilespmem:s7], [sflag:$0x3], $0x2800, $0x38;
	[tilespmem:$0x5200] =	vst v63  }
0x25: {  	_ =	swait.ge [sflag:s4], $0x2800  }
0x26: {  	[sflag:s4] =	ssyncset.done $0x0  }
0x27: {  	[sflag:s4] =	ssyncadd.s32 $0xFFFFD800  }
0x28: {  	_ =	swait.ge [sflag:s11], $0x2800  }
0x29: {  	[sflag:s11] =	ssyncset.done $0x0  }
0x2a: {  	s16 =	simm.s32 $0x140;
	[sflag:s11] =	ssyncadd.s32 $0xFFFFD800  }
0x2b: {  	[tilespmem:s7], [sflag:$0x1] =	stream.indirect.gather [hbm4b:s2+s6], $0x80, s16, s6, $0xb8;
	[tilespmem:$0x5200] =	vst v63  }
0x2c: {  	s18 =	ssub.s32 $0x2, s18;
	s17 =	sadd.s32 $0xF00, s19  }
0x2d: {  	[hbm4b:s17+s3] =	stream.linear.scatter [tilespmem:s9], [sflag:$0x3], $0x2800, $0x38;
	[tilespmem:$0x5200] =	vst v63  }
0x2e: {  	s20 =	sshrl.u32 s18, $0x1;
	_ =	swait.ge [sflag:s4], $0x2800  }
0x2f: {  	s20 =	ssub.s32 s18, s20;
	[sflag:s4] =	ssyncset.done $0x0  }
0x30: {  	s31 =	smax.u32 s20, $0x1;
	[sflag:s4] =	ssyncadd.s32 $0xFFFFD800  }
0x31: {  	p0 =	sne.s32 s31, $0x1;
	_ =	swait.ge [sflag:s8], $0x2800  }
.Ltmp0:
0x32: {  	[sflag:s8] =	ssyncset.done $0x0;
	(pc) =	sbr.rel @!p0 .LBB2_2-.Ltmp0, $4  }
0x33: {  	s18 =	sadd.s32 $0x1400, s19;
	[sflag:s8] =	ssyncadd.s32 $0xFFFFD800  }
0x34: {  	[hbm4b:s18+s3] =	stream.linear.scatter [tilespmem:s7], [sflag:$0x3], $0x2800, $0x38;
	[tilespmem:$0x5200] =	vst v63  }
0x35: {  	_ =	swait.ge [sflag:s4], $0x2800  }
0x36: {  	s19 =	sadd.s32 $0xFFFFFFFF, s31;
	[sflag:s4] =	ssyncset.done $0x0  }
.LBB2_1:
0x37: {  	p0 =	sne.s32 s19, $0x1;
	s19 =	sadd.s32 $0xFFFFFFFF, s19;
	[sflag:s4] =	ssyncadd.s32 $0xFFFFD800  }
0x38: {  	[tilespmem:s3], [sflag:$0x3] =	stream.linear.gather [hbm4b:s5+s3], $0x190, $0x38;
	[tilespmem:$0x5200] =	vst v63  }
0x39: {  	_ =	swait.ge [sflag:s4], $0x190  }
0x3a: {  	[sflag:s4] =	ssyncset.done $0x0  }
0x3b: {  	[sflag:s4] =	ssyncadd.s32 $0xFFFFFE70  }
0x3c: {  	[tilespmem:s7], [sflag:$0x1] =	stream.indirect.gather [hbm4b:s2+s6], $0x80, s3, s6, $0xb8;
	[tilespmem:$0x5200] =	vst v63  }
0x3d: {  	_ =	swait.ge [sflag:s8], $0x2800  }
0x3e: {  	[sflag:s8] =	ssyncset.done $0x0  }
0x3f: {  	[sflag:s8] =	ssyncadd.s32 $0xFFFFD800  }
0x40: {  	[tilespmem:s9], [sflag:$0x2] =	stream.indirect.gather [hbm4b:s2+s6], $0x80, s6, s6, $0xb8;
	[tilespmem:$0x5200] =	vst v63  }
0x41: {  	_ = 	snop  }
0x42: {  	[hbm4b:s10+s3] =	stream.linear.scatter [tilespmem:s7], [sflag:$0x3], $0x2800, $0x38;
	[tilespmem:$0x5200] =	vst v63  }
0x43: {  	_ =	swait.ge [sflag:s4], $0x2800  }
0x44: {  	[sflag:s4] =	ssyncset.done $0x0  }
0x45: {  	[sflag:s4] =	ssyncadd.s32 $0xFFFFD800  }
0x46: {  	_ =	swait.ge [sflag:s11], $0x2800  }
0x47: {  	[sflag:s11] =	ssyncset.done $0x0  }
0x48: {  	[sflag:s11] =	ssyncadd.s32 $0xFFFFD800  }
0x49: {  	[tilespmem:s7], [sflag:$0x1] =	stream.indirect.gather [hbm4b:s2+s6], $0x80, s12, s6, $0xb8;
	[tilespmem:$0x5200] =	vst v63  }
0x4a: {  	_ = 	snop  }
0x4b: {  	[hbm4b:s13+s3] =	stream.linear.scatter [tilespmem:s9], [sflag:$0x3], $0x2800, $0x38;
	[tilespmem:$0x5200] =	vst v63  }
0x4c: {  	_ =	swait.ge [sflag:s4], $0x2800  }
0x4d: {  	[sflag:s4] =	ssyncset.done $0x0  }
0x4e: {  	[sflag:s4] =	ssyncadd.s32 $0xFFFFD800  }
0x4f: {  	_ =	swait.ge [sflag:s8], $0x2800  }
0x50: {  	[sflag:s8] =	ssyncset.done $0x0  }
0x51: {  	[sflag:s8] =	ssyncadd.s32 $0xFFFFD800  }
0x52: {  	[tilespmem:s9], [sflag:$0x2] =	stream.indirect.gather [hbm4b:s2+s6], $0x80, s14, s6, $0xb8;
	[tilespmem:$0x5200] =	vst v63  }
0x53: {  	_ = 	snop  }
0x54: {  	[hbm4b:s15+s3] =	stream.linear.scatter [tilespmem:s7], [sflag:$0x3], $0x2800, $0x38;
	[tilespmem:$0x5200] =	vst v63  }
0x55: {  	_ =	swait.ge [sflag:s4], $0x2800  }
0x56: {  	[sflag:s4] =	ssyncset.done $0x0  }
0x57: {  	[sflag:s4] =	ssyncadd.s32 $0xFFFFD800  }
0x58: {  	_ =	swait.ge [sflag:s11], $0x2800  }
0x59: {  	[sflag:s11] =	ssyncset.done $0x0  }
0x5a: {  	[sflag:s11] =	ssyncadd.s32 $0xFFFFD800  }
0x5b: {  	[tilespmem:s7], [sflag:$0x1] =	stream.indirect.gather [hbm4b:s2+s6], $0x80, s16, s6, $0xb8;
	[tilespmem:$0x5200] =	vst v63  }
0x5c: {  	_ = 	snop  }
0x5d: {  	[hbm4b:s17+s3] =	stream.linear.scatter [tilespmem:s9], [sflag:$0x3], $0x2800, $0x38;
	[tilespmem:$0x5200] =	vst v63  }
0x5e: {  	_ =	swait.ge [sflag:s4], $0x2800  }
0x5f: {  	[sflag:s4] =	ssyncset.done $0x0  }
0x60: {  	[sflag:s4] =	ssyncadd.s32 $0xFFFFD800  }
0x61: {  	_ =	swait.ge [sflag:s8], $0x2800  }
.Ltmp1:
0x62: {  	[sflag:s8] =	ssyncset.done $0x0;
	(pc) =	sbr.rel @p0 .LBB2_1-.Ltmp1, $4  }
0x63: {  	[sflag:s8] =	ssyncadd.s32 $0xFFFFD800  }
0x64: {  	[hbm4b:s18+s3] =	stream.linear.scatter [tilespmem:s7], [sflag:$0x3], $0x2800, $0x38;
	[tilespmem:$0x5200] =	vst v63  }
0x65: {  	_ =	swait.ge [sflag:s4], $0x2800  }
0x66: {  	[sflag:s4] =	ssyncset.done $0x0  }
.LBB2_2:
0x67: {  	[sflag:s4] =	ssyncadd.s32 $0xFFFFD800  }
0x68: {  	_ =	sfence.sel $0x180000  }
0x69: {  	[bflag:$0x0] =	sbarrier.arrive $0xFFFF  }
0x6a: {  	p0 =	sne.s32 s0, $0x0;
	_ =	strace $0x9000004A  }
0x6b: {  	s0 =	sadd.s32 @!p0 $0x100000, s1;
	[bflag:$0x2] =	sbarrier.arrive $0xFFFF  }
0x6c: {  	[sflag:s0] =	ssyncadd.tile.s32 @!p0 $0x1;
	_ =	shalt  }
.Lfunc_end2:
_tile_overlayer_lowered:
.L_overlay_start_2:
0x6d: {  	(tag) =	ssettag $0x2  }
0x6e: {  	s0 =	rddreg [dreg:$0x0];
	s2 =	stileid.u32  }
0x6f: {  	s1 =	rddreg [dreg:$0x1];
	p0 =	sne.s32 s2, $0x0  }
0x70: {  	s3 =	rddreg [dreg:$0x2];
	[bflag:$0x3] =	sbarrier.arrive $0xFFFF;
	s2 =	simm.s32 @!p0 $0x1C03  }
0x71: {  	[timem:s3], [sflag:s2] =	dma.local @!p0 [hbm:s0], s1  }
0x72: {  	s0 =	simm.s32 @!p0 $0x3  }
0x73: {  	_ =	swait.ge @!p0 [sflag:s0], s1  }
0x74: {  	s1 =	ssub.s32 @!p0 $0x0, s1;
	[sflag:s0] =	ssyncset.done @!p0 $0x0  }
0x75: {  	[sflag:s0] =	ssyncadd.s32 @!p0 s1  }
0x76: {  	[bflag:$0x3] =	sbarrier.arrive $0xFFFF  }
0x77: {  	_ =	shalt  }

// kernel: kernel.16.cloned.1.call-start
scs
__scs_entry_jumppad:
0x0: {  	(pc) =	sbr.rel $0x88, $3  }
0x1: {  	(tag) =	ssettag $0x0;
	lr =	simm.s32 $0x1  }
0x2: {  	[smem:$0x3F9D] =	sst lr;
	_ =	strace $0xD0000000  }
0x3: {  	_ = 	snop  }
0x4: {  	_ = 	snop  }
0x5: {  	_ = 	snop  }
0x6: {  	_ = 	snop  }
0x7: {  	_ = 	snop  }
__scs_overlays_trampoline_lowered:
0x8: {  	[smem:$0x3FAC] =	sst s0  }
0x9: {  	[smem:$0x3FAD] =	sst s1  }
0xa: {  	[smem:$0x3FAE] =	sst s2  }
0xb: {  	[smem:$0x3FAF] =	sst s3  }
0xc: {  	[smem:$0x3FB0] =	sst s4  }
0xd: {  	[smem:$0x3FB1] =	sst s5  }
0xe: {  	[smem:$0x3FB2] =	sst s6  }
0xf: {  	[smem:$0x3FB3] =	sst s7  }
0x10: {  	[smem:$0x3FB4] =	sst s8  }
0x11: {  	[smem:$0x3FB5] =	sst s9;
	s0 =	simm.s32 @!p0 $0x0  }
0x12: {  	s1 =	sld [smem:$0x3F9B];
	s0 =	simm.s32 @p0 $0x1  }
0x13: {  	[smem:$0x3FB6] =	sst s0;
	s0 =	simm.s32 @!p1 $0x0  }
0x14: {  	s2 =	sld [smem:$0x3F9A];
	s0 =	simm.s32 @p1 $0x1  }
0x15: {  	[smem:$0x3FB7] =	sst s0;
	s0 =	simm.s32 @!p2 $0x0  }
0x16: {  	s3 =	sld [smem:$0x3FDB];
	s0 =	simm.s32 @p2 $0x1  }
0x17: {  	s4 =	simm.s32 $0x1BF5;
	[smem:$0x3FB9] =	sst s0  }
0x18: {  	s0 =	sld [smem:$0x3F9C];
	_ =	swait.ge [sflag:s4], $0x0  }
0x19: {  	s7 =	sld [smem:$0x3F9D]  }
0x1a: {  	s8 =	sadd.s32 $0xFFFFE003, lr  }
0x1b: {  	s9 =	sadd.s32 $0xFFFFFEF7, lr;
	s5 =	simm.s32 $0xFFFFFFFF;
	p2 =	slt.u32 s8, $0xFFFFF086  }
0x1c: {  	p1 =	slt.u32 s9, $0xF7A;
	s5 =	simm.s32 @!p2 $0x0  }
0x1d: {  	s5 =	simm.s32 @p1 $0x1;
	p0 =	seq.s32 s7, s2  }
0x1e: {  	s7 =	smul.u32 @!p0 $0xF7A, s2;
	p2 =	seq.s32 @!p0 s5, $0x0  }
0x1f: {  	s9 =	smul.u32 $0xF7A, s1;
	s8 =	simm.s32 @!p0 $0x1BF5;
	p2 =	por !p2, p0  }
0x20: {  	[sflag:s8] =	ssyncset.s32 @!p0 $0xFFFFF086;
	s6 =	sadd.s32 @!p0 s3, s7;
	s7 =	simm.s32 @!p0 $0x108  }
0x21: {  	s3 =	sadd.s32 s3, s9;
	s6 =	sadd.s32 @!p0 $0x88, s6;
	s7 =	simm.s32 @p2 $0x1082  }
0x22: {  	[simem:s7], [sflag:s8] =	dma.local @!p0 [hbm:s6], $0xF7A  }
0x23: {  	s9 =	sor.u32 $0xD0000000, s2;
	s6 =	simm.s32 $0x108;
	_ =	swait.ge @!p0 [sflag:s8], $0x0  }
0x24: {  	s3 =	sadd.s32 $0x88, s3;
	s6 =	simm.s32 @!p1 $0x1082;
	[sflag:s4] =	ssyncset.s32 $0xFFFFF086  }
0x25: {  	[simem:s6], [sflag:s4] =	dma.local [hbm:s3], $0xF7A  }
0x26: {  	[smem:$0x3F9D] =	sst s1;
	(tag) =	ssettag s2;
	_ =	strace s9  }
0x27: {  	s1 =	sld [smem:$0x3FAD]  }
0x28: {  	s2 =	sld [smem:$0x3FAE]  }
0x29: {  	s4 =	sld [smem:$0x3FB0]  }
0x2a: {  	p0 =	seq.s32 s5, $0x0;
	s5 =	sld [smem:$0x3FB1]  }
0x2b: {  	s6 =	sld [smem:$0x3FB2]  }
0x2c: {  	s7 =	sld [smem:$0x3FB3]  }
0x2d: {  	s3 =	simm.s32 $0x108;
	s8 =	sld [smem:$0x3FB4]  }
0x2e: {  	s3 =	simm.s32 @!p0 $0x1082;
	s9 =	sld [smem:$0x3FB5]  }
0x2f: {  	lr =	sadd.s32 s0, s3;
	s0 =	sld [smem:$0x3FAC]  }
0x30: {  	s3 =	sld [smem:$0x3FAF]  }
0x31: {  	[smem:$0x3FB8] =	sst s10  }
0x32: {  	s10 =	sld [smem:$0x3FB6];
	_ =	sdelay $0x3  }
0x33: {  	p0 =	seq.s32 s10, $0x1;
	s10 =	sld [smem:$0x3FB8];
	_ =	sdelay $0x3  }
0x34: {  	[smem:$0x3FB8] =	sst s10  }
0x35: {  	s10 =	sld [smem:$0x3FB7];
	_ =	sdelay $0x3  }
0x36: {  	p1 =	seq.s32 s10, $0x1;
	s10 =	sld [smem:$0x3FB8];
	_ =	sdelay $0x3  }
0x37: {  	[smem:$0x3FB8] =	sst s10  }
0x38: {  	s10 =	sld [smem:$0x3FB9]  }
0x39: {  	_ = 	snop;
	(pc) =	sbr.ind lr, $3  }
0x3a: {  	_ = 	snop  }
0x3b: {  	_ = 	snop  }
0x3c: {  	p2 =	seq.s32 s10, $0x1;
	s10 =	sld [smem:$0x3FB8]  }
0x3d: {  	_ =	shalt  }
0x3e: {  	_ =	shalt  }
0x3f: {  	_ =	shalt  }
0x40: {  	_ =	shalt  }
0x41: {  	_ =	shalt  }
0x42: {  	_ =	shalt  }
0x43: {  	_ =	shalt  }
0x44: {  	_ =	shalt  }
0x45: {  	_ =	shalt  }
0x46: {  	_ =	shalt  }
0x47: {  	_ =	shalt  }
0x48: {  	_ =	shalt  }
0x49: {  	_ =	shalt  }
0x4a: {  	_ =	shalt  }
0x4b: {  	_ =	shalt  }
0x4c: {  	_ =	shalt  }
0x4d: {  	_ =	shalt  }
0x4e: {  	_ =	shalt  }
0x4f: {  	_ =	shalt  }
0x50: {  	_ =	shalt  }
0x51: {  	_ =	shalt  }
0x52: {  	_ =	shalt  }
0x53: {  	_ =	shalt  }
0x54: {  	_ =	shalt  }
0x55: {  	_ =	shalt  }
0x56: {  	_ =	shalt  }
0x57: {  	_ =	shalt  }
0x58: {  	_ =	shalt  }
0x59: {  	_ =	shalt  }
0x5a: {  	_ =	shalt  }
0x5b: {  	_ =	shalt  }
0x5c: {  	_ =	shalt  }
0x5d: {  	_ =	shalt  }
0x5e: {  	_ =	shalt  }
0x5f: {  	_ =	shalt  }
0x60: {  	_ =	shalt  }
0x61: {  	_ =	shalt  }
0x62: {  	_ =	shalt  }
0x63: {  	_ =	shalt  }
0x64: {  	_ =	shalt  }
0x65: {  	_ =	shalt  }
0x66: {  	_ =	shalt  }
0x67: {  	_ =	shalt  }
0x68: {  	_ =	shalt  }
0x69: {  	_ =	shalt  }
0x6a: {  	_ =	shalt  }
0x6b: {  	_ =	shalt  }
0x6c: {  	_ =	shalt  }
0x6d: {  	_ =	shalt  }
0x6e: {  	_ =	shalt  }
0x6f: {  	_ =	shalt  }
0x70: {  	_ =	shalt  }
0x71: {  	_ =	shalt  }
0x72: {  	_ =	shalt  }
0x73: {  	_ =	shalt  }
0x74: {  	_ =	shalt  }
0x75: {  	_ =	shalt  }
0x76: {  	_ =	shalt  }
0x77: {  	_ =	shalt  }
0x78: {  	_ =	shalt  }
0x79: {  	_ =	shalt  }
0x7a: {  	_ =	shalt  }
0x7b: {  	_ =	shalt  }
0x7c: {  	_ =	shalt  }
0x7d: {  	_ =	shalt  }
0x7e: {  	_ =	shalt  }
0x7f: {  	_ =	shalt  }
0x80: {  	_ =	shalt  }
0x81: {  	_ =	shalt  }
0x82: {  	_ =	shalt  }
0x83: {  	_ =	shalt  }
0x84: {  	_ =	shalt  }
0x85: {  	_ =	shalt  }
0x86: {  	_ =	shalt  }
0x87: {  	_ =	shalt  }
.Lfunc_end0:
.L_simem_size_0:
called_computation.2_lowered:
.L_overlay_start_0:
0x88: {  	s2 =	sld [smem:$0x3FD9]  }
0x89: {  	s3 =	sld [smem:$0x3FFE];
	_ =	sdelay $0x1  }
0x8a: {  	s1 =	srdreg.scid  }
0x8b: {  	s0 =	sand.u32 $0x1, s1  }
0x8c: {  	s17 =	sshll.u32 s0, $0xA;
	s2 =	sadd.s32 s3, s2  }
0x8d: {  	s2 =	sadd.s32 s2, s17  }
0x8e: {  	[smem:$0x3FC4] =	sst s2  }
0x8f: {  	_ = 	snop  }
0x90: {  	s18 =	sld [smem:$0x3FC8];
	(tm) =	ssettm $0x1  }
0x91: {  	s19 =	sld [smem:$0x3FFB];
	_ =	sdelay $0x3  }
0x92: {  	_ =	strace s19  }
0x93: {  	s2 =	sld [smem:$0x3FFC];
	_ =	sdelay $0x3  }
0x94: {  	_ =	strace s2  }
0x95: {  	s2 =	sld [smem:$0x3FFD];
	_ =	sdelay $0x3  }
0x96: {  	_ =	strace s2  }
0x97: {  	_ =	strace $0x8FFFFFFF  }
0x98: {  	s20 =	sld [smem:$0x3FDB];
	_ =	sdelay $0x1  }
0x99: {  	s4 =	simm.s32 $_scs_section_size  }
0x9a: {  	s5 =	simm.s32 $_size__tile_overlayer_lowered;
	s6 =	simm.s32 $_tile_overlayer_lowered  }
0x9b: {  	s7 =	simm.s32 $0x1BFF;
	s21 =	sshll.u32 s6, $0x1;
	s4 =	sadd.s32 s4, s20  }
0x9c: {  	s22 =	simm.s32 $0x0;
	s5 =	sshll.u32 s5, $0x1;
	s6 =	sadd.s32 s21, s4  }
0x9d: {  	[timem:s22], [sflag:s7] =	dma.local [hbm:s6], s5  }
0x9e: {  	_ =	swait.ge [sflag:s7], s5  }
0x9f: {  	s5 =	ssub.s32 $0x0, s5;
	[sflag:s7] =	ssyncset.done $0x0  }
0xa0: {  	[sflag:s7] =	ssyncadd.s32 s5;
	_ =	sdelay $0x1  }
0xa1: {  	s23 =	simm.s32 $0x1B8B  }
0xa2: {  	_ =	swait.ge [sflag:s23], $0x1  }
0xa3: {  	[sflag:s23] =	ssyncset.done $0x0  }
0xa4: {  	[sflag:s23] =	ssyncadd.s32 $0xFFFFFFFF  }
0xa5: {  	s5 =	sld [smem:$0x0]  }
0xa6: {  	s6 =	sand.u32 $0xFFFFFFFE, s1  }
0xa7: {  	p0 =	sne.s32 s1, s6  }
0xa8: {  	s6 =	sshll.u32 @p0 s6, $0xE  }
0xa9: {  	s6 =	sadd.s32 @p0 $0x11B8D, s6;
	s7 =	sshll.u32 @p0 s5, $0x11  }
0xaa: {  	s6 =	sor.u32 @p0 s7, s6  }
0xab: {  	[sflag:s6] =	ssyncadd.remote.s32 @p0 $0x1;
	_ =	sdelay $0x1  }
0xac: {  	s6 =	simm.s32 @p0 $0x1B8D  }
0xad: {  	_ =	swait.eq @p0 [sflag:s6], $0x1  }
0xae: {  	[sflag:s6] =	ssyncadd.s32 @p0 $0xFFFFFFFF  }
0xaf: {  	s7 =	sshll.u32 @!p0 s1, $0xE  }
0xb0: {  	s7 =	sor.u32 @!p0 $0x4000, s7;
	s6 =	simm.s32 @!p0 $0x1B8D  }
0xb1: {  	s5 =	sshll.u32 @!p0 s5, $0x11;
	s7 =	sadd.s32 @!p0 $0x11B8D, s7;
	_ =	swait.eq @!p0 [sflag:s6], $0x1  }
0xb2: {  	s5 =	sor.u32 @!p0 s5, s7;
	[sflag:s6] =	ssyncadd.s32 @!p0 $0xFFFFFFFF  }
0xb3: {  	s25 =	simm.s32 $0x1B8E;
	s24 =	sld [smem:$0x3FFE];
	[sflag:s5] =	ssyncadd.remote.s32 @!p0 $0x1  }
0xb4: {  	s26 =	simm.s32 $execute0_lowered;
	[smem:$0x3FD2] =	sst s25  }
0xb5: {  	s6 =	sshll.u32 s26, $0x1;
	_ =	strace $0x8000004C;
	[dreg:$0x1] =	wrdreg $0xFFFFFFFF  }
0xb6: {  	s28 =	simm.s32 $_size_execute0_lowered;
	s4 =	sadd.s32 s4, s6;
	[dreg:$0x0] =	wrdreg $0x0  }
0xb7: {  	s6 =	sshll.u32 s28, $0x1;
	[dreg:$0x2] =	wrdreg s4  }
0xb8: {  	[dreg:$0x3] =	wrdreg s6  }
0xb9: {  	[dreg:$0x4] =	wrdreg $0xC0  }
0xba: {  	_ =	task [dreg:s22], $0x5FFFF  }
0xbb: {  	[dreg:$0x1] =	wrdreg $0xFFFFFFFF  }
0xbc: {  	[dreg:$0x0] =	wrdreg $0x60  }
0xbd: {  	[dreg:$0x2] =	wrdreg s18  }
0xbe: {  	[dreg:$0x3] =	wrdreg s24  }
0xbf: {  	[dreg:$0x4] =	wrdreg $0xB  }
0xc0: {  	_ =	task.clear_ibuf [dreg:s22], $0x5FFFF;
	_ =	strace $0x9000004C  }
0xc1: {  	s29 =	simm.s32 $0xB;
	_ =	strace $0x8000004E  }
0xc2: {  	_ =	swait.ge [sflag:s29], $0x1  }
0xc3: {  	[sflag:s29] =	ssyncadd.s32 $0xFFFFFFFF  }
0xc4: {  	_ =	strace $0x9000004E  }
0xc5: {  	_ =	sfence  }
0xc6: {  	s30 =	sld [smem:$0x0];
	_ =	sdelay $0x2  }
0xc7: {  	s31 =	sshll.u32 s1, $0xD;
	s1 =	sshrl.u32 s1, $0x2  }
0xc8: {  	s4 =	sand.u32 $0x4000, s31;
	s1 =	sadd.s32 s1, s30  }
0xc9: {  	s0 =	sor.u32 s4, s0;
	s1 =	sshll.u32 s1, $0x11  }
0xca: {  	s0 =	sor.u32 s1, s0  }
0xcb: {  	s0 =	sadd.s32 $0x8F2B, s0  }
0xcc: {  	[sflag:s0] =	ssyncadd.remote.s32 $0x1  }
0xcd: {  	_ =	sfence.sel $0xFFFF  }
0xce: {  	[dreg:$0x0] =	wrdreg $0xFFFFFFFF;
	(pc) =	sbr.abs _section_cstart, $3  }
0xcf: {  	[dreg:$0x1] =	wrdreg $0xFFFFFFFF  }
0xd0: {  	_ =	task.clear_ibuf [dreg:s22], $0x2FFFF;
	_ =	strace $0x9FFFFFFF  }
0xd1: {  	(tm) =	ssettm $0x7FFFFFFF  }
tec
execute0_lowered:
.L_overlay_start_1:
0x0: {  	(tag) =	ssettag $0x1  }
0x1: {  	s1 =	srdreg.scid;
	s0 =	stileid.u32  }
0x2: {  	s18 =	sand.u32 $0x1, s1;
	s30 =	sshll.u32 s0, $0x1  }
0x3: {  	s2 =	rddreg [dreg:$0x0];
	s11 =	sor.u32 s18, s30  }
0x4: {  	s9 =	rddreg [dreg:$0x1];
	s4 =	smul.u32 $0x32, s11  }
0x5: {  	s3 =	simm.s32 $0x0;
	s1 =	rddreg [dreg:$0x2]  }
0x6: {  	[smem:$0x7FF] =	sst s3;
	s4 =	sadd.s32 s4, s9  }
0x7: {  	_ =	strace $0x8000004D;
	s5 =	sadd.s32 $0x2E00, s4;
	s4 =	simm.s32 $0x3  }
0x8: {  	[tilespmem:s3], [sflag:$0x3] =	stream.linear.gather [hbm4b:s5+s3], $0x190, $0x38;
	[tilespmem:$0x5200] =	vst v63  }
0x9: {  	_ =	swait.ge [sflag:s4], $0x190  }
0xa: {  	s6 =	simm.s32 $0x50;
	[sflag:s4] =	ssyncset.done $0x0  }
0xb: {  	s7 =	simm.s32 $0x200;
	s8 =	simm.s32 $0x1;
	[sflag:s4] =	ssyncadd.s32 $0xFFFFFE70  }
0xc: {  	[tilespmem:s7], [sflag:$0x1] =	stream.indirect.gather [hbm4b:s2+s6], $0x80, s3, s6, $0xb8;
	[tilespmem:$0x5200] =	vst v63  }
0xd: {  	_ =	swait.ge [sflag:s8], $0x2800  }
0xe: {  	s12 =	sadd.s32 $0x35E00, s9;
	[sflag:s8] =	ssyncset.done $0x0  }
0xf: {  	s10 =	smul.u32 $0x1900, s11;
	s9 =	simm.s32 $0x2A00;
	[sflag:s8] =	ssyncadd.s32 $0xFFFFD800  }
0x10: {  	[tilespmem:s9], [sflag:$0x2] =	stream.indirect.gather [hbm4b:s2+s6], $0x80, s6, s6, $0xb8;
	[tilespmem:$0x5200] =	vst v63  }
0x11: {  	s10 =	sadd.s32 s12, s10  }
0x12: {  	[hbm4b:s10+s3] =	stream.linear.scatter [tilespmem:s7], [sflag:$0x3], $0x2800, $0x38;
	[tilespmem:$0x5200] =	vst v63  }
0x13: {  	_ =	swait.ge [sflag:s4], $0x2800  }
0x14: {  	[sflag:s4] =	ssyncset.done $0x0  }
0x15: {  	s13 =	smul.u32 $0xC800, s11;
	s11 =	simm.s32 $0x2;
	[sflag:s4] =	ssyncadd.s32 $0xFFFFD800  }
0x16: {  	_ =	swait.ge [sflag:s11], $0x2800  }
0x17: {  	s13 =	sshrl.u32 s13, $0x3;
	[sflag:s11] =	ssyncset.done $0x0  }
0x18: {  	s19 =	sadd.s32 s12, s13;
	s12 =	simm.s32 $0xA0;
	[sflag:s11] =	ssyncadd.s32 $0xFFFFD800  }
0x19: {  	[tilespmem:s7], [sflag:$0x1] =	stream.indirect.gather [hbm4b:s2+s6], $0x80, s12, s6, $0xb8;
	[tilespmem:$0x5200] =	vst v63  }
0x1a: {  	s13 =	sadd.s32 $0x500, s19  }
0x1b: {  	[hbm4b:s13+s3] =	stream.linear.scatter [tilespmem:s9], [sflag:$0x3], $0x2800, $0x38;
	[tilespmem:$0x5200] =	vst v63  }
0x1c: {  	_ =	swait.ge [sflag:s4], $0x2800  }
0x1d: {  	[sflag:s4] =	ssyncset.done $0x0  }
0x1e: {  	[sflag:s4] =	ssyncadd.s32 $0xFFFFD800  }
0x1f: {  	_ =	swait.ge [sflag:s8], $0x2800  }
0x20: {  	[sflag:s8] =	ssyncset.done $0x0  }
0x21: {  	s14 =	simm.s32 $0xF0;
	[sflag:s8] =	ssyncadd.s32 $0xFFFFD800  }
0x22: {  	[tilespmem:s9], [sflag:$0x2] =	stream.indirect.gather [hbm4b:s2+s6], $0x80, s14, s6, $0xb8;
	[tilespmem:$0x5200] =	vst v63  }
0x23: {  	s15 =	sadd.s32 $0xA00, s19  }
0x24: {  	[hbm4b:s15+s3] =	stream.linear.scatter [tilespmem:s7], [sflag:$0x3], $0x2800, $0x38;
	[tilespmem:$0x5200] =	vst v63  }
0x25: {  	_ =	swait.ge [sflag:s4], $0x2800  }
0x26: {  	[sflag:s4] =	ssyncset.done $0x0  }
0x27: {  	[sflag:s4] =	ssyncadd.s32 $0xFFFFD800  }
0x28: {  	_ =	swait.ge [sflag:s11], $0x2800  }
0x29: {  	[sflag:s11] =	ssyncset.done $0x0  }
0x2a: {  	s16 =	simm.s32 $0x140;
	[sflag:s11] =	ssyncadd.s32 $0xFFFFD800  }
0x2b: {  	[tilespmem:s7], [sflag:$0x1] =	stream.indirect.gather [hbm4b:s2+s6], $0x80, s16, s6, $0xb8;
	[tilespmem:$0x5200] =	vst v63  }
0x2c: {  	s18 =	ssub.s32 $0x2, s18;
	s17 =	sadd.s32 $0xF00, s19  }
0x2d: {  	[hbm4b:s17+s3] =	stream.linear.scatter [tilespmem:s9], [sflag:$0x3], $0x2800, $0x38;
	[tilespmem:$0x5200] =	vst v63  }
0x2e: {  	s20 =	sshrl.u32 s18, $0x1;
	_ =	swait.ge [sflag:s4], $0x2800  }
0x2f: {  	s20 =	ssub.s32 s18, s20;
	[sflag:s4] =	ssyncset.done $0x0  }
0x30: {  	s31 =	smax.u32 s20, $0x1;
	[sflag:s4] =	ssyncadd.s32 $0xFFFFD800  }
0x31: {  	p0 =	sne.s32 s31, $0x1;
	_ =	swait.ge [sflag:s8], $0x2800  }
.Ltmp0:
0x32: {  	[sflag:s8] =	ssyncset.done $0x0;
	(pc) =	sbr.rel @!p0 .LBB2_2-.Ltmp0, $4  }
0x33: {  	s18 =	sadd.s32 $0x1400, s19;
	[sflag:s8] =	ssyncadd.s32 $0xFFFFD800  }
0x34: {  	[hbm4b:s18+s3] =	stream.linear.scatter [tilespmem:s7], [sflag:$0x3], $0x2800, $0x38;
	[tilespmem:$0x5200] =	vst v63  }
0x35: {  	_ =	swait.ge [sflag:s4], $0x2800  }
0x36: {  	s19 =	sadd.s32 $0xFFFFFFFF, s31;
	[sflag:s4] =	ssyncset.done $0x0  }
.LBB2_1:
0x37: {  	p0 =	sne.s32 s19, $0x1;
	s19 =	sadd.s32 $0xFFFFFFFF, s19;
	[sflag:s4] =	ssyncadd.s32 $0xFFFFD800  }
0x38: {  	[tilespmem:s3], [sflag:$0x3] =	stream.linear.gather [hbm4b:s5+s3], $0x190, $0x38;
	[tilespmem:$0x5200] =	vst v63  }
0x39: {  	_ =	swait.ge [sflag:s4], $0x190  }
0x3a: {  	[sflag:s4] =	ssyncset.done $0x0  }
0x3b: {  	[sflag:s4] =	ssyncadd.s32 $0xFFFFFE70  }
0x3c: {  	[tilespmem:s7], [sflag:$0x1] =	stream.indirect.gather [hbm4b:s2+s6], $0x80, s3, s6, $0xb8;
	[tilespmem:$0x5200] =	vst v63  }
0x3d: {  	_ =	swait.ge [sflag:s8], $0x2800  }
0x3e: {  	[sflag:s8] =	ssyncset.done $0x0  }
0x3f: {  	[sflag:s8] =	ssyncadd.s32 $0xFFFFD800  }
0x40: {  	[tilespmem:s9], [sflag:$0x2] =	stream.indirect.gather [hbm4b:s2+s6], $0x80, s6, s6, $0xb8;
	[tilespmem:$0x5200] =	vst v63  }
0x41: {  	_ = 	snop  }
0x42: {  	[hbm4b:s10+s3] =	stream.linear.scatter [tilespmem:s7], [sflag:$0x3], $0x2800, $0x38;
	[tilespmem:$0x5200] =	vst v63  }
0x43: {  	_ =	swait.ge [sflag:s4], $0x2800  }
0x44: {  	[sflag:s4] =	ssyncset.done $0x0  }
0x45: {  	[sflag:s4] =	ssyncadd.s32 $0xFFFFD800  }
0x46: {  	_ =	swait.ge [sflag:s11], $0x2800  }
0x47: {  	[sflag:s11] =	ssyncset.done $0x0  }
0x48: {  	[sflag:s11] =	ssyncadd.s32 $0xFFFFD800  }
0x49: {  	[tilespmem:s7], [sflag:$0x1] =	stream.indirect.gather [hbm4b:s2+s6], $0x80, s12, s6, $0xb8;
	[tilespmem:$0x5200] =	vst v63  }
0x4a: {  	_ = 	snop  }
0x4b: {  	[hbm4b:s13+s3] =	stream.linear.scatter [tilespmem:s9], [sflag:$0x3], $0x2800, $0x38;
	[tilespmem:$0x5200] =	vst v63  }
0x4c: {  	_ =	swait.ge [sflag:s4], $0x2800  }
0x4d: {  	[sflag:s4] =	ssyncset.done $0x0  }
0x4e: {  	[sflag:s4] =	ssyncadd.s32 $0xFFFFD800  }
0x4f: {  	_ =	swait.ge [sflag:s8], $0x2800  }
0x50: {  	[sflag:s8] =	ssyncset.done $0x0  }
0x51: {  	[sflag:s8] =	ssyncadd.s32 $0xFFFFD800  }
0x52: {  	[tilespmem:s9], [sflag:$0x2] =	stream.indirect.gather [hbm4b:s2+s6], $0x80, s14, s6, $0xb8;
	[tilespmem:$0x5200] =	vst v63  }
0x53: {  	_ = 	snop  }
0x54: {  	[hbm4b:s15+s3] =	stream.linear.scatter [tilespmem:s7], [sflag:$0x3], $0x2800, $0x38;
	[tilespmem:$0x5200] =	vst v63  }
0x55: {  	_ =	swait.ge [sflag:s4], $0x2800  }
0x56: {  	[sflag:s4] =	ssyncset.done $0x0  }
0x57: {  	[sflag:s4] =	ssyncadd.s32 $0xFFFFD800  }
0x58: {  	_ =	swait.ge [sflag:s11], $0x2800  }
0x59: {  	[sflag:s11] =	ssyncset.done $0x0  }
0x5a: {  	[sflag:s11] =	ssyncadd.s32 $0xFFFFD800  }
0x5b: {  	[tilespmem:s7], [sflag:$0x1] =	stream.indirect.gather [hbm4b:s2+s6], $0x80, s16, s6, $0xb8;
	[tilespmem:$0x5200] =	vst v63  }
0x5c: {  	_ = 	snop  }
0x5d: {  	[hbm4b:s17+s3] =	stream.linear.scatter [tilespmem:s9], [sflag:$0x3], $0x2800, $0x38;
	[tilespmem:$0x5200] =	vst v63  }
0x5e: {  	_ =	swait.ge [sflag:s4], $0x2800  }
0x5f: {  	[sflag:s4] =	ssyncset.done $0x0  }
0x60: {  	[sflag:s4] =	ssyncadd.s32 $0xFFFFD800  }
0x61: {  	_ =	swait.ge [sflag:s8], $0x2800  }
.Ltmp1:
0x62: {  	[sflag:s8] =	ssyncset.done $0x0;
	(pc) =	sbr.rel @p0 .LBB2_1-.Ltmp1, $4  }
0x63: {  	[sflag:s8] =	ssyncadd.s32 $0xFFFFD800  }
0x64: {  	[hbm4b:s18+s3] =	stream.linear.scatter [tilespmem:s7], [sflag:$0x3], $0x2800, $0x38;
	[tilespmem:$0x5200] =	vst v63  }
0x65: {  	_ =	swait.ge [sflag:s4], $0x2800  }
0x66: {  	[sflag:s4] =	ssyncset.done $0x0  }
.LBB2_2:
0x67: {  	[sflag:s4] =	ssyncadd.s32 $0xFFFFD800  }
0x68: {  	_ =	sfence.sel $0x180000  }
0x69: {  	[bflag:$0x0] =	sbarrier.arrive $0xFFFF  }
0x6a: {  	p0 =	sne.s32 s0, $0x0;
	_ =	strace $0x9000004D  }
0x6b: {  	s0 =	sadd.s32 @!p0 $0x100000, s1;
	[bflag:$0x2] =	sbarrier.arrive $0xFFFF  }
0x6c: {  	[sflag:s0] =	ssyncadd.tile.s32 @!p0 $0x1;
	_ =	shalt  }
.Lfunc_end2:
_tile_overlayer_lowered:
.L_overlay_start_2:
0x6d: {  	(tag) =	ssettag $0x2  }
0x6e: {  	s0 =	rddreg [dreg:$0x0];
	s2 =	stileid.u32  }
0x6f: {  	s1 =	rddreg [dreg:$0x1];
	p0 =	sne.s32 s2, $0x0  }
0x70: {  	s3 =	rddreg [dreg:$0x2];
	[bflag:$0x3] =	sbarrier.arrive $0xFFFF;
	s2 =	simm.s32 @!p0 $0x1C03  }
0x71: {  	[timem:s3], [sflag:s2] =	dma.local @!p0 [hbm:s0], s1  }
0x72: {  	s0 =	simm.s32 @!p0 $0x3  }
0x73: {  	_ =	swait.ge @!p0 [sflag:s0], s1  }
0x74: {  	s1 =	ssub.s32 @!p0 $0x0, s1;
	[sflag:s0] =	ssyncset.done @!p0 $0x0  }
0x75: {  	[sflag:s0] =	ssyncadd.s32 @!p0 s1  }
0x76: {  	[bflag:$0x3] =	sbarrier.arrive $0xFFFF  }
0x77: {  	_ =	shalt  }

// kernel: kernel.19.cloned.1.call-start
scs
__scs_entry_jumppad:
0x0: {  	(pc) =	sbr.rel $0x88, $3  }
0x1: {  	(tag) =	ssettag $0x0;
	lr =	simm.s32 $0x1  }
0x2: {  	[smem:$0x3F9D] =	sst lr;
	_ =	strace $0xD0000000  }
0x3: {  	_ = 	snop  }
0x4: {  	_ = 	snop  }
0x5: {  	_ = 	snop  }
0x6: {  	_ = 	snop  }
0x7: {  	_ = 	snop  }
__scs_overlays_trampoline_lowered:
0x8: {  	[smem:$0x3FAC] =	sst s0  }
0x9: {  	[smem:$0x3FAD] =	sst s1  }
0xa: {  	[smem:$0x3FAE] =	sst s2  }
0xb: {  	[smem:$0x3FAF] =	sst s3  }
0xc: {  	[smem:$0x3FB0] =	sst s4  }
0xd: {  	[smem:$0x3FB1] =	sst s5  }
0xe: {  	[smem:$0x3FB2] =	sst s6  }
0xf: {  	[smem:$0x3FB3] =	sst s7  }
0x10: {  	[smem:$0x3FB4] =	sst s8  }
0x11: {  	[smem:$0x3FB5] =	sst s9;
	s0 =	simm.s32 @!p0 $0x0  }
0x12: {  	s1 =	sld [smem:$0x3F9B];
	s0 =	simm.s32 @p0 $0x1  }
0x13: {  	[smem:$0x3FB6] =	sst s0;
	s0 =	simm.s32 @!p1 $0x0  }
0x14: {  	s2 =	sld [smem:$0x3F9A];
	s0 =	simm.s32 @p1 $0x1  }
0x15: {  	[smem:$0x3FB7] =	sst s0;
	s0 =	simm.s32 @!p2 $0x0  }
0x16: {  	s3 =	sld [smem:$0x3FDB];
	s0 =	simm.s32 @p2 $0x1  }
0x17: {  	s4 =	simm.s32 $0x1BF5;
	[smem:$0x3FB9] =	sst s0  }
0x18: {  	s0 =	sld [smem:$0x3F9C];
	_ =	swait.ge [sflag:s4], $0x0  }
0x19: {  	s7 =	sld [smem:$0x3F9D]  }
0x1a: {  	s8 =	sadd.s32 $0xFFFFE003, lr  }
0x1b: {  	s9 =	sadd.s32 $0xFFFFFEF7, lr;
	s5 =	simm.s32 $0xFFFFFFFF;
	p2 =	slt.u32 s8, $0xFFFFF086  }
0x1c: {  	p1 =	slt.u32 s9, $0xF7A;
	s5 =	simm.s32 @!p2 $0x0  }
0x1d: {  	s5 =	simm.s32 @p1 $0x1;
	p0 =	seq.s32 s7, s2  }
0x1e: {  	s7 =	smul.u32 @!p0 $0xF7A, s2;
	p2 =	seq.s32 @!p0 s5, $0x0  }
0x1f: {  	s9 =	smul.u32 $0xF7A, s1;
	s8 =	simm.s32 @!p0 $0x1BF5;
	p2 =	por !p2, p0  }
0x20: {  	[sflag:s8] =	ssyncset.s32 @!p0 $0xFFFFF086;
	s6 =	sadd.s32 @!p0 s3, s7;
	s7 =	simm.s32 @!p0 $0x108  }
0x21: {  	s3 =	sadd.s32 s3, s9;
	s6 =	sadd.s32 @!p0 $0x88, s6;
	s7 =	simm.s32 @p2 $0x1082  }
0x22: {  	[simem:s7], [sflag:s8] =	dma.local @!p0 [hbm:s6], $0xF7A  }
0x23: {  	s9 =	sor.u32 $0xD0000000, s2;
	s6 =	simm.s32 $0x108;
	_ =	swait.ge @!p0 [sflag:s8], $0x0  }
0x24: {  	s3 =	sadd.s32 $0x88, s3;
	s6 =	simm.s32 @!p1 $0x1082;
	[sflag:s4] =	ssyncset.s32 $0xFFFFF086  }
0x25: {  	[simem:s6], [sflag:s4] =	dma.local [hbm:s3], $0xF7A  }
0x26: {  	[smem:$0x3F9D] =	sst s1;
	(tag) =	ssettag s2;
	_ =	strace s9  }
0x27: {  	s1 =	sld [smem:$0x3FAD]  }
0x28: {  	s2 =	sld [smem:$0x3FAE]  }
0x29: {  	s4 =	sld [smem:$0x3FB0]  }
0x2a: {  	p0 =	seq.s32 s5, $0x0;
	s5 =	sld [smem:$0x3FB1]  }
0x2b: {  	s6 =	sld [smem:$0x3FB2]  }
0x2c: {  	s7 =	sld [smem:$0x3FB3]  }
0x2d: {  	s3 =	simm.s32 $0x108;
	s8 =	sld [smem:$0x3FB4]  }
0x2e: {  	s3 =	simm.s32 @!p0 $0x1082;
	s9 =	sld [smem:$0x3FB5]  }
0x2f: {  	lr =	sadd.s32 s0, s3;
	s0 =	sld [smem:$0x3FAC]  }
0x30: {  	s3 =	sld [smem:$0x3FAF]  }
0x31: {  	[smem:$0x3FB8] =	sst s10  }
0x32: {  	s10 =	sld [smem:$0x3FB6];
	_ =	sdelay $0x3  }
0x33: {  	p0 =	seq.s32 s10, $0x1;
	s10 =	sld [smem:$0x3FB8];
	_ =	sdelay $0x3  }
0x34: {  	[smem:$0x3FB8] =	sst s10  }
0x35: {  	s10 =	sld [smem:$0x3FB7];
	_ =	sdelay $0x3  }
0x36: {  	p1 =	seq.s32 s10, $0x1;
	s10 =	sld [smem:$0x3FB8];
	_ =	sdelay $0x3  }
0x37: {  	[smem:$0x3FB8] =	sst s10  }
0x38: {  	s10 =	sld [smem:$0x3FB9]  }
0x39: {  	_ = 	snop;
	(pc) =	sbr.ind lr, $3  }
0x3a: {  	_ = 	snop  }
0x3b: {  	_ = 	snop  }
0x3c: {  	p2 =	seq.s32 s10, $0x1;
	s10 =	sld [smem:$0x3FB8]  }
0x3d: {  	_ =	shalt  }
0x3e: {  	_ =	shalt  }
0x3f: {  	_ =	shalt  }
0x40: {  	_ =	shalt  }
0x41: {  	_ =	shalt  }
0x42: {  	_ =	shalt  }
0x43: {  	_ =	shalt  }
0x44: {  	_ =	shalt  }
0x45: {  	_ =	shalt  }
0x46: {  	_ =	shalt  }
0x47: {  	_ =	shalt  }
0x48: {  	_ =	shalt  }
0x49: {  	_ =	shalt  }
0x4a: {  	_ =	shalt  }
0x4b: {  	_ =	shalt  }
0x4c: {  	_ =	shalt  }
0x4d: {  	_ =	shalt  }
0x4e: {  	_ =	shalt  }
0x4f: {  	_ =	shalt  }
0x50: {  	_ =	shalt  }
0x51: {  	_ =	shalt  }
0x52: {  	_ =	shalt  }
0x53: {  	_ =	shalt  }
0x54: {  	_ =	shalt  }
0x55: {  	_ =	shalt  }
0x56: {  	_ =	shalt  }
0x57: {  	_ =	shalt  }
0x58: {  	_ =	shalt  }
0x59: {  	_ =	shalt  }
0x5a: {  	_ =	shalt  }
0x5b: {  	_ =	shalt  }
0x5c: {  	_ =	shalt  }
0x5d: {  	_ =	shalt  }
0x5e: {  	_ =	shalt  }
0x5f: {  	_ =	shalt  }
0x60: {  	_ =	shalt  }
0x61: {  	_ =	shalt  }
0x62: {  	_ =	shalt  }
0x63: {  	_ =	shalt  }
0x64: {  	_ =	shalt  }
0x65: {  	_ =	shalt  }
0x66: {  	_ =	shalt  }
0x67: {  	_ =	shalt  }
0x68: {  	_ =	shalt  }
0x69: {  	_ =	shalt  }
0x6a: {  	_ =	shalt  }
0x6b: {  	_ =	shalt  }
0x6c: {  	_ =	shalt  }
0x6d: {  	_ =	shalt  }
0x6e: {  	_ =	shalt  }
0x6f: {  	_ =	shalt  }
0x70: {  	_ =	shalt  }
0x71: {  	_ =	shalt  }
0x72: {  	_ =	shalt  }
0x73: {  	_ =	shalt  }
0x74: {  	_ =	shalt  }
0x75: {  	_ =	shalt  }
0x76: {  	_ =	shalt  }
0x77: {  	_ =	shalt  }
0x78: {  	_ =	shalt  }
0x79: {  	_ =	shalt  }
0x7a: {  	_ =	shalt  }
0x7b: {  	_ =	shalt  }
0x7c: {  	_ =	shalt  }
0x7d: {  	_ =	shalt  }
0x7e: {  	_ =	shalt  }
0x7f: {  	_ =	shalt  }
0x80: {  	_ =	shalt  }
0x81: {  	_ =	shalt  }
0x82: {  	_ =	shalt  }
0x83: {  	_ =	shalt  }
0x84: {  	_ =	shalt  }
0x85: {  	_ =	shalt  }
0x86: {  	_ =	shalt  }
0x87: {  	_ =	shalt  }
.Lfunc_end0:
.L_simem_size_0:
called_computation.3_lowered:
.L_overlay_start_0:
0x88: {  	s2 =	sld [smem:$0x3FD9]  }
0x89: {  	s3 =	sld [smem:$0x3FFE];
	_ =	sdelay $0x1  }
0x8a: {  	s1 =	srdreg.scid  }
0x8b: {  	s0 =	sand.u32 $0x1, s1  }
0x8c: {  	s17 =	sshll.u32 s0, $0xA;
	s2 =	sadd.s32 s3, s2  }
0x8d: {  	s2 =	sadd.s32 s2, s17  }
0x8e: {  	[smem:$0x3FC4] =	sst s2  }
0x8f: {  	_ = 	snop  }
0x90: {  	s18 =	sld [smem:$0x3FC8];
	(tm) =	ssettm $0x1  }
0x91: {  	s19 =	sld [smem:$0x3FFB];
	_ =	sdelay $0x3  }
0x92: {  	_ =	strace s19  }
0x93: {  	s2 =	sld [smem:$0x3FFC];
	_ =	sdelay $0x3  }
0x94: {  	_ =	strace s2  }
0x95: {  	s2 =	sld [smem:$0x3FFD];
	_ =	sdelay $0x3  }
0x96: {  	_ =	strace s2  }
0x97: {  	_ =	strace $0x8FFFFFFF  }
0x98: {  	s20 =	sld [smem:$0x3FDB];
	_ =	sdelay $0x1  }
0x99: {  	s4 =	simm.s32 $_scs_section_size  }
0x9a: {  	s5 =	simm.s32 $_size__tile_overlayer_lowered;
	s6 =	simm.s32 $_tile_overlayer_lowered  }
0x9b: {  	s7 =	simm.s32 $0x1BFF;
	s21 =	sshll.u32 s6, $0x1;
	s4 =	sadd.s32 s4, s20  }
0x9c: {  	s22 =	simm.s32 $0x0;
	s5 =	sshll.u32 s5, $0x1;
	s6 =	sadd.s32 s21, s4  }
0x9d: {  	[timem:s22], [sflag:s7] =	dma.local [hbm:s6], s5  }
0x9e: {  	_ =	swait.ge [sflag:s7], s5  }
0x9f: {  	s5 =	ssub.s32 $0x0, s5;
	[sflag:s7] =	ssyncset.done $0x0  }
0xa0: {  	[sflag:s7] =	ssyncadd.s32 s5;
	_ =	sdelay $0x1  }
0xa1: {  	s23 =	simm.s32 $0x1B8B  }
0xa2: {  	_ =	swait.ge [sflag:s23], $0x1  }
0xa3: {  	[sflag:s23] =	ssyncset.done $0x0  }
0xa4: {  	[sflag:s23] =	ssyncadd.s32 $0xFFFFFFFF  }
0xa5: {  	s5 =	sld [smem:$0x0]  }
0xa6: {  	s6 =	sand.u32 $0xFFFFFFFE, s1  }
0xa7: {  	p0 =	sne.s32 s1, s6  }
0xa8: {  	s6 =	sshll.u32 @p0 s6, $0xE  }
0xa9: {  	s6 =	sadd.s32 @p0 $0x11B8D, s6;
	s7 =	sshll.u32 @p0 s5, $0x11  }
0xaa: {  	s6 =	sor.u32 @p0 s7, s6  }
0xab: {  	[sflag:s6] =	ssyncadd.remote.s32 @p0 $0x1;
	_ =	sdelay $0x1  }
0xac: {  	s6 =	simm.s32 @p0 $0x1B8D  }
0xad: {  	_ =	swait.eq @p0 [sflag:s6], $0x1  }
0xae: {  	[sflag:s6] =	ssyncadd.s32 @p0 $0xFFFFFFFF  }
0xaf: {  	s7 =	sshll.u32 @!p0 s1, $0xE  }
0xb0: {  	s7 =	sor.u32 @!p0 $0x4000, s7;
	s6 =	simm.s32 @!p0 $0x1B8D  }
0xb1: {  	s5 =	sshll.u32 @!p0 s5, $0x11;
	s7 =	sadd.s32 @!p0 $0x11B8D, s7;
	_ =	swait.eq @!p0 [sflag:s6], $0x1  }
0xb2: {  	s5 =	sor.u32 @!p0 s5, s7;
	[sflag:s6] =	ssyncadd.s32 @!p0 $0xFFFFFFFF  }
0xb3: {  	s25 =	simm.s32 $0x1B8E;
	s24 =	sld [smem:$0x3FFE];
	[sflag:s5] =	ssyncadd.remote.s32 @!p0 $0x1  }
0xb4: {  	s26 =	simm.s32 $execute0_lowered;
	[smem:$0x3FD2] =	sst s25  }
0xb5: {  	s6 =	sshll.u32 s26, $0x1;
	_ =	strace $0x8000004F;
	[dreg:$0x1] =	wrdreg $0xFFFFFFFF  }
0xb6: {  	s28 =	simm.s32 $_size_execute0_lowered;
	s4 =	sadd.s32 s4, s6;
	[dreg:$0x0] =	wrdreg $0x0  }
0xb7: {  	s6 =	sshll.u32 s28, $0x1;
	[dreg:$0x2] =	wrdreg s4  }
0xb8: {  	[dreg:$0x3] =	wrdreg s6  }
0xb9: {  	[dreg:$0x4] =	wrdreg $0xC0  }
0xba: {  	_ =	task [dreg:s22], $0x5FFFF  }
0xbb: {  	[dreg:$0x1] =	wrdreg $0xFFFFFFFF  }
0xbc: {  	[dreg:$0x0] =	wrdreg $0x60  }
0xbd: {  	[dreg:$0x2] =	wrdreg s18  }
0xbe: {  	[dreg:$0x3] =	wrdreg s24  }
0xbf: {  	[dreg:$0x4] =	wrdreg $0xC  }
0xc0: {  	_ =	task.clear_ibuf [dreg:s22], $0x5FFFF;
	_ =	strace $0x9000004F  }
0xc1: {  	s29 =	simm.s32 $0xC;
	_ =	strace $0x80000051  }
0xc2: {  	_ =	swait.ge [sflag:s29], $0x1  }
0xc3: {  	[sflag:s29] =	ssyncadd.s32 $0xFFFFFFFF  }
0xc4: {  	_ =	strace $0x90000051  }
0xc5: {  	_ =	sfence  }
0xc6: {  	s30 =	sld [smem:$0x0];
	_ =	sdelay $0x2  }
0xc7: {  	s31 =	sshll.u32 s1, $0xD;
	s1 =	sshrl.u32 s1, $0x2  }
0xc8: {  	s4 =	sand.u32 $0x4000, s31;
	s1 =	sadd.s32 s1, s30  }
0xc9: {  	s0 =	sor.u32 s4, s0;
	s1 =	sshll.u32 s1, $0x11  }
0xca: {  	s0 =	sor.u32 s1, s0  }
0xcb: {  	s0 =	sadd.s32 $0x8F2B, s0  }
0xcc: {  	[sflag:s0] =	ssyncadd.remote.s32 $0x1  }
0xcd: {  	_ =	sfence.sel $0xFFFF  }
0xce: {  	[dreg:$0x0] =	wrdreg $0xFFFFFFFF;
	(pc) =	sbr.abs _section_cstart, $3  }
0xcf: {  	[dreg:$0x1] =	wrdreg $0xFFFFFFFF  }
0xd0: {  	_ =	task.clear_ibuf [dreg:s22], $0x2FFFF;
	_ =	strace $0x9FFFFFFF  }
0xd1: {  	(tm) =	ssettm $0x7FFFFFFF  }
tec
execute0_lowered:
.L_overlay_start_1:
0x0: {  	(tag) =	ssettag $0x1  }
0x1: {  	s1 =	srdreg.scid;
	s0 =	stileid.u32  }
0x2: {  	s18 =	sand.u32 $0x1, s1;
	s30 =	sshll.u32 s0, $0x1  }
0x3: {  	s2 =	rddreg [dreg:$0x0];
	s11 =	sor.u32 s18, s30  }
0x4: {  	s9 =	rddreg [dreg:$0x1];
	s4 =	smul.u32 $0x32, s11  }
0x5: {  	s3 =	simm.s32 $0x0;
	s1 =	rddreg [dreg:$0x2]  }
0x6: {  	[smem:$0x7FF] =	sst s3;
	s4 =	sadd.s32 s4, s9  }
0x7: {  	_ =	strace $0x80000050;
	s5 =	sadd.s32 $0x3600, s4;
	s4 =	simm.s32 $0x3  }
0x8: {  	[tilespmem:s3], [sflag:$0x3] =	stream.linear.gather [hbm4b:s5+s3], $0x190, $0x38;
	[tilespmem:$0x5200] =	vst v63  }
0x9: {  	_ =	swait.ge [sflag:s4], $0x190  }
0xa: {  	s6 =	simm.s32 $0x50;
	[sflag:s4] =	ssyncset.done $0x0  }
0xb: {  	s7 =	simm.s32 $0x200;
	s8 =	simm.s32 $0x1;
	[sflag:s4] =	ssyncadd.s32 $0xFFFFFE70  }
0xc: {  	[tilespmem:s7], [sflag:$0x1] =	stream.indirect.gather [hbm4b:s2+s6], $0x80, s3, s6, $0xb8;
	[tilespmem:$0x5200] =	vst v63  }
0xd: {  	_ =	swait.ge [sflag:s8], $0x2800  }
0xe: {  	s12 =	sadd.s32 $0x67E00, s9;
	[sflag:s8] =	ssyncset.done $0x0  }
0xf: {  	s10 =	smul.u32 $0x1900, s11;
	s9 =	simm.s32 $0x2A00;
	[sflag:s8] =	ssyncadd.s32 $0xFFFFD800  }
0x10: {  	[tilespmem:s9], [sflag:$0x2] =	stream.indirect.gather [hbm4b:s2+s6], $0x80, s6, s6, $0xb8;
	[tilespmem:$0x5200] =	vst v63  }
0x11: {  	s10 =	sadd.s32 s12, s10  }
0x12: {  	[hbm4b:s10+s3] =	stream.linear.scatter [tilespmem:s7], [sflag:$0x3], $0x2800, $0x38;
	[tilespmem:$0x5200] =	vst v63  }
0x13: {  	_ =	swait.ge [sflag:s4], $0x2800  }
0x14: {  	[sflag:s4] =	ssyncset.done $0x0  }
0x15: {  	s13 =	smul.u32 $0xC800, s11;
	s11 =	simm.s32 $0x2;
	[sflag:s4] =	ssyncadd.s32 $0xFFFFD800  }
0x16: {  	_ =	swait.ge [sflag:s11], $0x2800  }
0x17: {  	s13 =	sshrl.u32 s13, $0x3;
	[sflag:s11] =	ssyncset.done $0x0  }
0x18: {  	s19 =	sadd.s32 s12, s13;
	s12 =	simm.s32 $0xA0;
	[sflag:s11] =	ssyncadd.s32 $0xFFFFD800  }
0x19: {  	[tilespmem:s7], [sflag:$0x1] =	stream.indirect.gather [hbm4b:s2+s6], $0x80, s12, s6, $0xb8;
	[tilespmem:$0x5200] =	vst v63  }
0x1a: {  	s13 =	sadd.s32 $0x500, s19  }
0x1b: {  	[hbm4b:s13+s3] =	stream.linear.scatter [tilespmem:s9], [sflag:$0x3], $0x2800, $0x38;
	[tilespmem:$0x5200] =	vst v63  }
0x1c: {  	_ =	swait.ge [sflag:s4], $0x2800  }
0x1d: {  	[sflag:s4] =	ssyncset.done $0x0  }
0x1e: {  	[sflag:s4] =	ssyncadd.s32 $0xFFFFD800  }
0x1f: {  	_ =	swait.ge [sflag:s8], $0x2800  }
0x20: {  	[sflag:s8] =	ssyncset.done $0x0  }
0x21: {  	s14 =	simm.s32 $0xF0;
	[sflag:s8] =	ssyncadd.s32 $0xFFFFD800  }
0x22: {  	[tilespmem:s9], [sflag:$0x2] =	stream.indirect.gather [hbm4b:s2+s6], $0x80, s14, s6, $0xb8;
	[tilespmem:$0x5200] =	vst v63  }
0x23: {  	s15 =	sadd.s32 $0xA00, s19  }
0x24: {  	[hbm4b:s15+s3] =	stream.linear.scatter [tilespmem:s7], [sflag:$0x3], $0x2800, $0x38;
	[tilespmem:$0x5200] =	vst v63  }
0x25: {  	_ =	swait.ge [sflag:s4], $0x2800  }
0x26: {  	[sflag:s4] =	ssyncset.done $0x0  }
0x27: {  	[sflag:s4] =	ssyncadd.s32 $0xFFFFD800  }
0x28: {  	_ =	swait.ge [sflag:s11], $0x2800  }
0x29: {  	[sflag:s11] =	ssyncset.done $0x0  }
0x2a: {  	s16 =	simm.s32 $0x140;
	[sflag:s11] =	ssyncadd.s32 $0xFFFFD800  }
0x2b: {  	[tilespmem:s7], [sflag:$0x1] =	stream.indirect.gather [hbm4b:s2+s6], $0x80, s16, s6, $0xb8;
	[tilespmem:$0x5200] =	vst v63  }
0x2c: {  	s18 =	ssub.s32 $0x2, s18;
	s17 =	sadd.s32 $0xF00, s19  }
0x2d: {  	[hbm4b:s17+s3] =	stream.linear.scatter [tilespmem:s9], [sflag:$0x3], $0x2800, $0x38;
	[tilespmem:$0x5200] =	vst v63  }
0x2e: {  	s20 =	sshrl.u32 s18, $0x1;
	_ =	swait.ge [sflag:s4], $0x2800  }
0x2f: {  	s20 =	ssub.s32 s18, s20;
	[sflag:s4] =	ssyncset.done $0x0  }
0x30: {  	s31 =	smax.u32 s20, $0x1;
	[sflag:s4] =	ssyncadd.s32 $0xFFFFD800  }
0x31: {  	p0 =	sne.s32 s31, $0x1;
	_ =	swait.ge [sflag:s8], $0x2800  }
.Ltmp0:
0x32: {  	[sflag:s8] =	ssyncset.done $0x0;
	(pc) =	sbr.rel @!p0 .LBB2_2-.Ltmp0, $4  }
0x33: {  	s18 =	sadd.s32 $0x1400, s19;
	[sflag:s8] =	ssyncadd.s32 $0xFFFFD800  }
0x34: {  	[hbm4b:s18+s3] =	stream.linear.scatter [tilespmem:s7], [sflag:$0x3], $0x2800, $0x38;
	[tilespmem:$0x5200] =	vst v63  }
0x35: {  	_ =	swait.ge [sflag:s4], $0x2800  }
0x36: {  	s19 =	sadd.s32 $0xFFFFFFFF, s31;
	[sflag:s4] =	ssyncset.done $0x0  }
.LBB2_1:
0x37: {  	p0 =	sne.s32 s19, $0x1;
	s19 =	sadd.s32 $0xFFFFFFFF, s19;
	[sflag:s4] =	ssyncadd.s32 $0xFFFFD800  }
0x38: {  	[tilespmem:s3], [sflag:$0x3] =	stream.linear.gather [hbm4b:s5+s3], $0x190, $0x38;
	[tilespmem:$0x5200] =	vst v63  }
0x39: {  	_ =	swait.ge [sflag:s4], $0x190  }
0x3a: {  	[sflag:s4] =	ssyncset.done $0x0  }
0x3b: {  	[sflag:s4] =	ssyncadd.s32 $0xFFFFFE70  }
0x3c: {  	[tilespmem:s7], [sflag:$0x1] =	stream.indirect.gather [hbm4b:s2+s6], $0x80, s3, s6, $0xb8;
	[tilespmem:$0x5200] =	vst v63  }
0x3d: {  	_ =	swait.ge [sflag:s8], $0x2800  }
0x3e: {  	[sflag:s8] =	ssyncset.done $0x0  }
0x3f: {  	[sflag:s8] =	ssyncadd.s32 $0xFFFFD800  }
0x40: {  	[tilespmem:s9], [sflag:$0x2] =	stream.indirect.gather [hbm4b:s2+s6], $0x80, s6, s6, $0xb8;
	[tilespmem:$0x5200] =	vst v63  }
0x41: {  	_ = 	snop  }
0x42: {  	[hbm4b:s10+s3] =	stream.linear.scatter [tilespmem:s7], [sflag:$0x3], $0x2800, $0x38;
	[tilespmem:$0x5200] =	vst v63  }
0x43: {  	_ =	swait.ge [sflag:s4], $0x2800  }
0x44: {  	[sflag:s4] =	ssyncset.done $0x0  }
0x45: {  	[sflag:s4] =	ssyncadd.s32 $0xFFFFD800  }
0x46: {  	_ =	swait.ge [sflag:s11], $0x2800  }
0x47: {  	[sflag:s11] =	ssyncset.done $0x0  }
0x48: {  	[sflag:s11] =	ssyncadd.s32 $0xFFFFD800  }
0x49: {  	[tilespmem:s7], [sflag:$0x1] =	stream.indirect.gather [hbm4b:s2+s6], $0x80, s12, s6, $0xb8;
	[tilespmem:$0x5200] =	vst v63  }
0x4a: {  	_ = 	snop  }
0x4b: {  	[hbm4b:s13+s3] =	stream.linear.scatter [tilespmem:s9], [sflag:$0x3], $0x2800, $0x38;
	[tilespmem:$0x5200] =	vst v63  }
0x4c: {  	_ =	swait.ge [sflag:s4], $0x2800  }
0x4d: {  	[sflag:s4] =	ssyncset.done $0x0  }
0x4e: {  	[sflag:s4] =	ssyncadd.s32 $0xFFFFD800  }
0x4f: {  	_ =	swait.ge [sflag:s8], $0x2800  }
0x50: {  	[sflag:s8] =	ssyncset.done $0x0  }
0x51: {  	[sflag:s8] =	ssyncadd.s32 $0xFFFFD800  }
0x52: {  	[tilespmem:s9], [sflag:$0x2] =	stream.indirect.gather [hbm4b:s2+s6], $0x80, s14, s6, $0xb8;
	[tilespmem:$0x5200] =	vst v63  }
0x53: {  	_ = 	snop  }
0x54: {  	[hbm4b:s15+s3] =	stream.linear.scatter [tilespmem:s7], [sflag:$0x3], $0x2800, $0x38;
	[tilespmem:$0x5200] =	vst v63  }
0x55: {  	_ =	swait.ge [sflag:s4], $0x2800  }
0x56: {  	[sflag:s4] =	ssyncset.done $0x0  }
0x57: {  	[sflag:s4] =	ssyncadd.s32 $0xFFFFD800  }
0x58: {  	_ =	swait.ge [sflag:s11], $0x2800  }
0x59: {  	[sflag:s11] =	ssyncset.done $0x0  }
0x5a: {  	[sflag:s11] =	ssyncadd.s32 $0xFFFFD800  }
0x5b: {  	[tilespmem:s7], [sflag:$0x1] =	stream.indirect.gather [hbm4b:s2+s6], $0x80, s16, s6, $0xb8;
	[tilespmem:$0x5200] =	vst v63  }
0x5c: {  	_ = 	snop  }
0x5d: {  	[hbm4b:s17+s3] =	stream.linear.scatter [tilespmem:s9], [sflag:$0x3], $0x2800, $0x38;
	[tilespmem:$0x5200] =	vst v63  }
0x5e: {  	_ =	swait.ge [sflag:s4], $0x2800  }
0x5f: {  	[sflag:s4] =	ssyncset.done $0x0  }
0x60: {  	[sflag:s4] =	ssyncadd.s32 $0xFFFFD800  }
0x61: {  	_ =	swait.ge [sflag:s8], $0x2800  }
.Ltmp1:
0x62: {  	[sflag:s8] =	ssyncset.done $0x0;
	(pc) =	sbr.rel @p0 .LBB2_1-.Ltmp1, $4  }
0x63: {  	[sflag:s8] =	ssyncadd.s32 $0xFFFFD800  }
0x64: {  	[hbm4b:s18+s3] =	stream.linear.scatter [tilespmem:s7], [sflag:$0x3], $0x2800, $0x38;
	[tilespmem:$0x5200] =	vst v63  }
0x65: {  	_ =	swait.ge [sflag:s4], $0x2800  }
0x66: {  	[sflag:s4] =	ssyncset.done $0x0  }
.LBB2_2:
0x67: {  	[sflag:s4] =	ssyncadd.s32 $0xFFFFD800  }
0x68: {  	_ =	sfence.sel $0x180000  }
0x69: {  	[bflag:$0x0] =	sbarrier.arrive $0xFFFF  }
0x6a: {  	p0 =	sne.s32 s0, $0x0;
	_ =	strace $0x90000050  }
0x6b: {  	s0 =	sadd.s32 @!p0 $0x100000, s1;
	[bflag:$0x2] =	sbarrier.arrive $0xFFFF  }
0x6c: {  	[sflag:s0] =	ssyncadd.tile.s32 @!p0 $0x1;
	_ =	shalt  }
.Lfunc_end2:
_tile_overlayer_lowered:
.L_overlay_start_2:
0x6d: {  	(tag) =	ssettag $0x2  }
0x6e: {  	s0 =	rddreg [dreg:$0x0];
	s2 =	stileid.u32  }
0x6f: {  	s1 =	rddreg [dreg:$0x1];
	p0 =	sne.s32 s2, $0x0  }
0x70: {  	s3 =	rddreg [dreg:$0x2];
	[bflag:$0x3] =	sbarrier.arrive $0xFFFF;
	s2 =	simm.s32 @!p0 $0x1C03  }
0x71: {  	[timem:s3], [sflag:s2] =	dma.local @!p0 [hbm:s0], s1  }
0x72: {  	s0 =	simm.s32 @!p0 $0x3  }
0x73: {  	_ =	swait.ge @!p0 [sflag:s0], s1  }
0x74: {  	s1 =	ssub.s32 @!p0 $0x0, s1;
	[sflag:s0] =	ssyncset.done @!p0 $0x0  }
0x75: {  	[sflag:s0] =	ssyncadd.s32 @!p0 s1  }
0x76: {  	[bflag:$0x3] =	sbarrier.arrive $0xFFFF  }
0x77: {  	_ =	shalt  }

</sc_bundles>
